<compile_context>
chip_gen: v7x
topology: tpu7x:2x2x1
jax: 0.10.2.dev20260603
libtpu: 0.0.44.dev20260713+nightly
codegen_flags: <defaults>
</compile_context>

<pallas_src>
import functools

import jax
import jax.numpy as jnp
from jax import lax
from jax.experimental import pallas as pl
from jax.experimental.pallas import tpu as pltpu
from jax.experimental.pallas import tpu_sc as plsc

_B = 16384
_H = 128
_NC = 2
_NS = 16
_NW = _NC * _NS
_NSPLIT = 2
_HB = _B // _NSPLIT
_RPW = _HB // _NW
_CHUNK = 128
_NCHUNK = _RPW // _CHUNK
_NTAB = 2
_NWORK = _NTAB * _NCHUNK
_DEPTH = _NWORK
_NWL = 1024


def _sc_gather_body(spas_t, loc_t, spas_i, loc_i,
                    out_s, out_l, idx_v, bufs, gsem, ssem):
    wid = lax.axis_index("s") * _NC + lax.axis_index("c")
    base = wid * _RPW
    tables = (spas_t, loc_t)
    idxs = (spas_i, loc_i)
    outs = (out_s, out_l)

    for t in range(_NTAB):
        pltpu.sync_copy(idxs[t].at[pl.ds(wid * _NCHUNK, _NCHUNK)], idx_v.at[t])

    work = [(t, j) for t in range(_NTAB) for j in range(_NCHUNK)]
    n = len(work)

    def gather(k):
        t, j = work[k]
        return pltpu.async_copy(tables[t].at[idx_v.at[t].at[j]],
                                bufs.at[k % _DEPTH], gsem)

    def store(k):
        t, j = work[k]
        return pltpu.async_copy(bufs.at[k % _DEPTH],
                                outs[t].at[pl.ds(base + j * _CHUNK, _CHUNK)],
                                ssem)

    gs = [gather(k) for k in range(min(_DEPTH, n))]
    stores = [None] * n
    for k in range(n):
        gs[k].wait()
        stores[k] = store(k)
        if k + _DEPTH < n:
            stores[k].wait()
            gs.append(gather(k + _DEPTH))
    for k in range(max(0, n - _DEPTH), n):
        stores[k].wait()


_sc_gather = functools.partial(
    pl.kernel,
    out_type=(jax.ShapeDtypeStruct((_HB, _H), jnp.float32),) * _NTAB,
    mesh=plsc.VectorSubcoreMesh(core_axis_name="c", subcore_axis_name="s",
                                num_cores=_NC, num_subcores=_NS),
    scratch_types=[
        pltpu.VMEM((_NTAB, _NCHUNK, _CHUNK), jnp.int32),
        pltpu.VMEM((_DEPTH, _CHUNK, _H), jnp.float32),
        pltpu.SemaphoreType.DMA,
        pltpu.SemaphoreType.DMA,
    ],
)(_sc_gather_body)


_BS = 4096
_GRID = _HB // _BS

_DN0 = (((0,), (0,)), ((), ()))


def _tc_body(o_prev_ref, xt1_ref, es_ref, el_ref, wli_ref, wlt_ref,
             w1b_ref, w2_ref, b2_ref, w3_ref, b3_ref, o_ref):
    del o_prev_ref
    bf = jnp.bfloat16
    f32 = jnp.float32
    w3 = w3_ref[...].astype(bf)
    w3d = w3[3 * _H:4 * _H, :]
    h1_t = jnp.maximum(
        lax.dot_general(w1b_ref[...].astype(bf), xt1_ref[...].astype(bf),
                        _DN0, preferred_element_type=f32), 0.0)
    w4 = jnp.dot(w2_ref[...].astype(bf), w3d,
                 preferred_element_type=f32).astype(bf)
    b34 = jnp.dot(b2_ref[...].astype(bf), w3d,
                  preferred_element_type=f32) + b3_ref[...]
    acc = lax.dot_general(h1_t.astype(bf), w4, _DN0,
                          preferred_element_type=f32)
    wlw3b = jnp.dot(wlt_ref[...].astype(bf), w3[_H:2 * _H, :],
                    preferred_element_type=f32).astype(bf)
    oh = (lax.broadcasted_iota(jnp.int32, (_NWL, _BS), 0)
          == wli_ref[...]).astype(bf)
    acc += lax.dot_general(oh, wlw3b, _DN0, preferred_element_type=f32)
    acc += jnp.dot(es_ref[...].astype(bf), w3[0:_H, :],
                   preferred_element_type=f32)
    acc += jnp.dot(el_ref[...].astype(bf), w3[2 * _H:3 * _H, :],
                   preferred_element_type=f32)
    o_ref[...] = jnp.maximum(acc + b34, 0.0)


def _tc_project(split, o_prev, xt1, es, el, wli, wlt, W1b, W2, b2, W3, b3):
    off = split * _GRID
    batch = pl.BlockSpec((_BS, _H), lambda i: (i, 0))
    full = lambda s: pl.BlockSpec(s, lambda i: (0, 0))
    return pl.pallas_call(
        _tc_body,
        grid=(_GRID,),
        in_specs=[pl.BlockSpec(memory_space=pl.ANY),
                  pl.BlockSpec((3, _BS), lambda i: (0, i + off)),
                  batch, batch,
                  pl.BlockSpec((1, _BS), lambda i: (0, i + off)),
                  full((_NWL, _H)),
                  full((3, _H)), full((_H, _H)), full((1, _H)),
                  full((4 * _H, _H)), full((1, _H))],
        out_specs=pl.BlockSpec((_BS, _H), lambda i: (i + off, 0)),
        out_shape=jax.ShapeDtypeStruct((_B, _H), jnp.float32),
        input_output_aliases={0: 0},
    )(o_prev, xt1, es, el, wli, wlt, W1b, W2, b2, W3, b3)


def kernel(spas_item_id, wl_id, wf_loc_id, wf_loc_x, wf_loc_y,
           spas_table, wl_table, loc_table, W1, b1, W2, b2, W3, b3):
    si = spas_item_id.astype(jnp.int32).reshape(_B // _CHUNK, _CHUNK)
    li = wf_loc_id.astype(jnp.int32).reshape(_B // _CHUNK, _CHUNK)
    wli = wl_id.astype(jnp.int32)[None, :]
    wlt = jnp.pad(wl_table, ((0, _NWL - wl_table.shape[0]), (0, 0)))
    xt1 = jnp.stack([wf_loc_x, wf_loc_y, jnp.ones_like(wf_loc_x)])
    W1b = jnp.concatenate([W1, b1[None, :]])
    b2r, b3r = b2[None, :], b3[None, :]

    nrow = _HB // _CHUNK
    gathered = [
        _sc_gather(spas_table, loc_table,
                   si[s * nrow:(s + 1) * nrow],
                   li[s * nrow:(s + 1) * nrow])
        for s in range(_NSPLIT)
    ]
    out = jnp.zeros((_B, _H), jnp.float32)
    for s in range(_NSPLIT):
        es, el = gathered[s]
        out = _tc_project(s, out, xt1, es, el, wli, wlt, W1b, W2, b2r, W3, b3r)
    return out

# --- scband reference (transcript-rebuilt; emitter-appended) ---
"""Pipeline reference for scband-condition-encoder-88871463289379 (READ-ONLY COPY).

The authoritative reference and input builder live on the scoring server;
editing this copy changes nothing except your own understanding.
"""

import jax, jax.numpy as jnp
import numpy as np

B = 16384
H = 128
N_SPAS = 1000000
N_WL = 1000
N_LOC = 100000


def setup_inputs(seed: int = 0) -> dict:
    key = jax.random.key(seed)
    ks = jax.random.split(key, 12)
    return {
        "spas_item_id": jax.random.randint(ks[0], (B,), 0, N_SPAS, dtype=jnp.int64) if jax.config.read("jax_enable_x64") else jax.random.randint(ks[0], (B,), 0, N_SPAS).astype(jnp.int32),
        "wl_id": jax.random.randint(ks[1], (B,), 0, N_WL).astype(jnp.int32),
        "wf_loc_id": jax.random.randint(ks[2], (B,), 0, N_LOC).astype(jnp.int32),
        "wf_loc_x": jax.random.normal(ks[3], (B,), dtype=jnp.float32),
        "wf_loc_y": jax.random.normal(ks[4], (B,), dtype=jnp.float32),
        "spas_table": jax.random.normal(ks[5], (N_SPAS, H), dtype=jnp.float32) * 0.02,
        "wl_table": jax.random.normal(ks[6], (N_WL, H), dtype=jnp.float32) * 0.02,
        "loc_table": jax.random.normal(ks[7], (N_LOC, H), dtype=jnp.float32) * 0.02,
        "W1": jax.random.normal(ks[8], (2, H), dtype=jnp.float32) * 0.1,
        "b1": jnp.zeros((H,), dtype=jnp.float32),
        "W2": jax.random.normal(ks[9], (H, H), dtype=jnp.float32) * 0.05,
        "b2": jnp.zeros((H,), dtype=jnp.float32),
        "W3": jax.random.normal(ks[10], (4 * H, H), dtype=jnp.float32) * 0.05,
        "b3": jnp.zeros((H,), dtype=jnp.float32),
    }


def reference(spas_item_id, wl_id, wf_loc_id, wf_loc_x, wf_loc_y,
              spas_table, wl_table, loc_table, W1, b1, W2, b2, W3, b3):
    e_spas = jnp.take(spas_table, spas_item_id, axis=0)
    e_wl = jnp.take(wl_table, wl_id, axis=0)
    e_loc = jnp.take(loc_table, wf_loc_id, axis=0)
    xy = jnp.stack([wf_loc_x, wf_loc_y], axis=-1)
    h = jax.nn.relu(xy @ W1 + b1) @ W2 + b2
    z = jnp.concatenate([e_spas, e_wl, e_loc, h], axis=-1)
    return jax.nn.relu(z @ W3 + b3)

if __name__ == "__main__":
    import jax
    _d = setup_inputs()
    print(jax.jit(kernel)(*tuple(_d.values())))

</pallas_src>

<mosaic_0001>
#map = affine_map<(d0, d1) -> (0, 0)>
module attributes {stable_mosaic.version = 14 : i64} {
  func.func @_sc_gather_body(%arg0: i32, %arg1: i32, %arg2: memref<1000000x128xf32, #tpu.memory_space<hbm>>, %arg3: memref<100000x128xf32, #tpu.memory_space<hbm>>, %arg4: memref<64x128xi32, #tpu.memory_space<hbm>>, %arg5: memref<64x128xi32, #tpu.memory_space<hbm>>, %arg6: memref<8192x128xf32, #tpu.memory_space<hbm>>, %arg7: memref<8192x128xf32, #tpu.memory_space<hbm>>, %arg8: memref<2x2x128xi32, #tpu.memory_space<vmem>>, %arg9: memref<4x128x128xf32, #tpu.memory_space<vmem>>, %arg10: memref<!tpu.dma_semaphore, #tpu.memory_space<semaphore_mem>>, %arg11: memref<!tpu.dma_semaphore, #tpu.memory_space<semaphore_mem>>) attributes {dimension_semantics = [#tpu.dimension_semantics<core_parallel>, #tpu.dimension_semantics<subcore_parallel>], iteration_bounds = array<i64: 2, 16>, scalar_prefetch = 0 : i64, scratch_operands = 4 : i64, tpu.core_type = #tpu.core_type<sc_vector_subcore>, window_params = [{transform_indices = #map}, {transform_indices = #map}, {transform_indices = #map}, {transform_indices = #map}, {transform_indices = #map}, {transform_indices = #map}]} {
    %mul3A = arith.constant 2 : i32
    %mul3A_0 = arith.muli %arg1, %mul3A : i32
    %add3A = arith.addi %mul3A_0, %arg0 : i32
    %mul3A_1 = arith.constant 256 : i32
    %mul3A_2 = arith.muli %add3A, %mul3A_1 : i32
    %mul3A_3 = arith.constant 2 : i32
    %mul3A_4 = arith.muli %add3A, %mul3A_3 : i32
    %run_scoped3A = arith.constant 0 : i32
    "tpu.region"() ({
      %run_scoped3A_254 = tpu.sem_alloc : memref<!tpu.dma_semaphore, #tpu.memory_space<semaphore_mem>>
      %dma_start3A_255 = arith.constant 0 : i32
      %dma_start3A_256 = arith.constant 0 : i32
      %dma_start3A_257 = tpu.memref_slice %arg8[%run_scoped3A, %dma_start3A_255, %dma_start3A_256] : memref<2x2x128xi32, #tpu.memory_space<vmem>> -> memref<1x2x128xi32, #tpu.memory_space<vmem>>
      %dma_start3A_258 = tpu.memref_squeeze %dma_start3A_257 : memref<1x2x128xi32, #tpu.memory_space<vmem>> -> memref<2x128xi32, #tpu.memory_space<vmem>>
      %dma_start3A_259 = arith.constant 0 : i32
      %dma_start3A_260 = tpu.memref_slice %arg4[%mul3A_4, %dma_start3A_259] : memref<64x128xi32, #tpu.memory_space<hbm>> -> memref<2x128xi32, #tpu.memory_space<hbm>>
      %dma_start3A_261 = arith.constant 0 : i32
      %dma_start3A_262 = arith.constant 0 : i32
      %dma_start3A_263 = tpu.memref_slice %arg8[%run_scoped3A, %dma_start3A_261, %dma_start3A_262] : memref<2x2x128xi32, #tpu.memory_space<vmem>> -> memref<1x2x128xi32, #tpu.memory_space<vmem>>
      %dma_start3A_264 = tpu.memref_squeeze %dma_start3A_263 : memref<1x2x128xi32, #tpu.memory_space<vmem>> -> memref<2x128xi32, #tpu.memory_space<vmem>>
      %dma_start3A_265 = arith.constant 0 : i32
      %dma_start3A_266 = tpu.memref_slice %arg4[%mul3A_4, %dma_start3A_265] : memref<64x128xi32, #tpu.memory_space<hbm>> -> memref<2x128xi32, #tpu.memory_space<hbm>>
      tpu.enqueue_dma source(%dma_start3A_266 : memref<2x128xi32, #tpu.memory_space<hbm>>) target(%dma_start3A_264 : memref<2x128xi32, #tpu.memory_space<vmem>>) target_semaphore(%run_scoped3A_254 : memref<!tpu.dma_semaphore, #tpu.memory_space<semaphore_mem>>)
      %dma_wait3A_267 = arith.constant 0 : i32
      %dma_wait3A_268 = arith.constant 0 : i32
      %dma_wait3A_269 = tpu.memref_slice %arg8[%run_scoped3A, %dma_wait3A_267, %dma_wait3A_268] : memref<2x2x128xi32, #tpu.memory_space<vmem>> -> memref<1x2x128xi32, #tpu.memory_space<vmem>>
      %dma_wait3A_270 = tpu.memref_squeeze %dma_wait3A_269 : memref<1x2x128xi32, #tpu.memory_space<vmem>> -> memref<2x128xi32, #tpu.memory_space<vmem>>
      %dma_wait3A_271 = arith.constant 0 : i32
      %dma_wait3A_272 = tpu.memref_slice %arg4[%mul3A_4, %dma_wait3A_271] : memref<64x128xi32, #tpu.memory_space<hbm>> -> memref<2x128xi32, #tpu.memory_space<hbm>>
      %dma_wait3A_273 = arith.constant 0 : i32
      %dma_wait3A_274 = arith.constant 0 : i32
      %dma_wait3A_275 = tpu.memref_slice %arg8[%run_scoped3A, %dma_wait3A_273, %dma_wait3A_274] : memref<2x2x128xi32, #tpu.memory_space<vmem>> -> memref<1x2x128xi32, #tpu.memory_space<vmem>>
      %dma_wait3A_276 = tpu.memref_squeeze %dma_wait3A_275 : memref<1x2x128xi32, #tpu.memory_space<vmem>> -> memref<2x128xi32, #tpu.memory_space<vmem>>
      %dma_wait3A_277 = arith.constant 0 : i32
      %dma_wait3A_278 = tpu.memref_slice %arg4[%mul3A_4, %dma_wait3A_277] : memref<64x128xi32, #tpu.memory_space<hbm>> -> memref<2x128xi32, #tpu.memory_space<hbm>>
      tpu.wait_dma2 semaphore(%run_scoped3A_254 : memref<!tpu.dma_semaphore, #tpu.memory_space<semaphore_mem>>) src(%dma_wait3A_278 : memref<2x128xi32, #tpu.memory_space<hbm>>) dst(%dma_wait3A_276 : memref<2x128xi32, #tpu.memory_space<vmem>>)
      tpu.yield
    }) : () -> ()
    %mul3A_5 = arith.constant 2 : i32
    %mul3A_6 = arith.muli %add3A, %mul3A_5 : i32
    %run_scoped3A_7 = arith.constant 1 : i32
    "tpu.region"() ({
      %run_scoped3A_254 = tpu.sem_alloc : memref<!tpu.dma_semaphore, #tpu.memory_space<semaphore_mem>>
      %dma_start3A_255 = arith.constant 0 : i32
      %dma_start3A_256 = arith.constant 0 : i32
      %dma_start3A_257 = tpu.memref_slice %arg8[%run_scoped3A_7, %dma_start3A_255, %dma_start3A_256] : memref<2x2x128xi32, #tpu.memory_space<vmem>> -> memref<1x2x128xi32, #tpu.memory_space<vmem>>
      %dma_start3A_258 = tpu.memref_squeeze %dma_start3A_257 : memref<1x2x128xi32, #tpu.memory_space<vmem>> -> memref<2x128xi32, #tpu.memory_space<vmem>>
      %dma_start3A_259 = arith.constant 0 : i32
      %dma_start3A_260 = tpu.memref_slice %arg5[%mul3A_6, %dma_start3A_259] : memref<64x128xi32, #tpu.memory_space<hbm>> -> memref<2x128xi32, #tpu.memory_space<hbm>>
      %dma_start3A_261 = arith.constant 0 : i32
      %dma_start3A_262 = arith.constant 0 : i32
      %dma_start3A_263 = tpu.memref_slice %arg8[%run_scoped3A_7, %dma_start3A_261, %dma_start3A_262] : memref<2x2x128xi32, #tpu.memory_space<vmem>> -> memref<1x2x128xi32, #tpu.memory_space<vmem>>
      %dma_start3A_264 = tpu.memref_squeeze %dma_start3A_263 : memref<1x2x128xi32, #tpu.memory_space<vmem>> -> memref<2x128xi32, #tpu.memory_space<vmem>>
      %dma_start3A_265 = arith.constant 0 : i32
      %dma_start3A_266 = tpu.memref_slice %arg5[%mul3A_6, %dma_start3A_265] : memref<64x128xi32, #tpu.memory_space<hbm>> -> memref<2x128xi32, #tpu.memory_space<hbm>>
      tpu.enqueue_dma source(%dma_start3A_266 : memref<2x128xi32, #tpu.memory_space<hbm>>) target(%dma_start3A_264 : memref<2x128xi32, #tpu.memory_space<vmem>>) target_semaphore(%run_scoped3A_254 : memref<!tpu.dma_semaphore, #tpu.memory_space<semaphore_mem>>)
      %dma_wait3A_267 = arith.constant 0 : i32
      %dma_wait3A_268 = arith.constant 0 : i32
      %dma_wait3A_269 = tpu.memref_slice %arg8[%run_scoped3A_7, %dma_wait3A_267, %dma_wait3A_268] : memref<2x2x128xi32, #tpu.memory_space<vmem>> -> memref<1x2x128xi32, #tpu.memory_space<vmem>>
      %dma_wait3A_270 = tpu.memref_squeeze %dma_wait3A_269 : memref<1x2x128xi32, #tpu.memory_space<vmem>> -> memref<2x128xi32, #tpu.memory_space<vmem>>
      %dma_wait3A_271 = arith.constant 0 : i32
      %dma_wait3A_272 = tpu.memref_slice %arg5[%mul3A_6, %dma_wait3A_271] : memref<64x128xi32, #tpu.memory_space<hbm>> -> memref<2x128xi32, #tpu.memory_space<hbm>>
      %dma_wait3A_273 = arith.constant 0 : i32
      %dma_wait3A_274 = arith.constant 0 : i32
      %dma_wait3A_275 = tpu.memref_slice %arg8[%run_scoped3A_7, %dma_wait3A_273, %dma_wait3A_274] : memref<2x2x128xi32, #tpu.memory_space<vmem>> -> memref<1x2x128xi32, #tpu.memory_space<vmem>>
      %dma_wait3A_276 = tpu.memref_squeeze %dma_wait3A_275 : memref<1x2x128xi32, #tpu.memory_space<vmem>> -> memref<2x128xi32, #tpu.memory_space<vmem>>
      %dma_wait3A_277 = arith.constant 0 : i32
      %dma_wait3A_278 = tpu.memref_slice %arg5[%mul3A_6, %dma_wait3A_277] : memref<64x128xi32, #tpu.memory_space<hbm>> -> memref<2x128xi32, #tpu.memory_space<hbm>>
      tpu.wait_dma2 semaphore(%run_scoped3A_254 : memref<!tpu.dma_semaphore, #tpu.memory_space<semaphore_mem>>) src(%dma_wait3A_278 : memref<2x128xi32, #tpu.memory_space<hbm>>) dst(%dma_wait3A_276 : memref<2x128xi32, #tpu.memory_space<vmem>>)
      tpu.yield
    }) : () -> ()
    %dma_start3A = arith.constant 0 : i32
    %dma_start3A_8 = arith.constant 0 : i32
    %dma_start3A_9 = arith.constant 0 : i32
    %dma_start3A_10 = arith.constant 0 : i32
    %dma_start3A_11 = arith.constant 0 : i32
    %dma_start3A_12 = tpu.memref_slice %arg9[%dma_start3A_9, %dma_start3A_10, %dma_start3A_11] : memref<4x128x128xf32, #tpu.memory_space<vmem>> -> memref<1x128x128xf32, #tpu.memory_space<vmem>>
    %dma_start3A_13 = tpu.memref_squeeze %dma_start3A_12 : memref<1x128x128xf32, #tpu.memory_space<vmem>> -> memref<128x128xf32, #tpu.memory_space<vmem>>
    %dma_start3A_14 = arith.constant 0 : i32
    %dma_start3A_15 = arith.constant 0 : i32
    %dma_start3A_16 = tpu.memref_slice %arg8[%dma_start3A, %dma_start3A_14, %dma_start3A_15] : memref<2x2x128xi32, #tpu.memory_space<vmem>> -> memref<1x2x128xi32, #tpu.memory_space<vmem>>
    %dma_start3A_17 = tpu.memref_squeeze %dma_start3A_16 : memref<1x2x128xi32, #tpu.memory_space<vmem>> -> memref<2x128xi32, #tpu.memory_space<vmem>>
    %dma_start3A_18 = arith.constant 0 : i32
    %dma_start3A_19 = tpu.memref_slice %dma_start3A_17[%dma_start3A_8, %dma_start3A_18] : memref<2x128xi32, #tpu.memory_space<vmem>> -> memref<1x128xi32, #tpu.memory_space<vmem>>
    %dma_start3A_20 = tpu.memref_squeeze %dma_start3A_19 : memref<1x128xi32, #tpu.memory_space<vmem>> -> memref<128xi32, #tpu.memory_space<vmem>>
    %dma_start3A_21 = arith.constant 0 : i32
    %dma_start3A_22 = arith.constant 0 : i32
    %dma_start3A_23 = tpu.memref_slice %arg2[%dma_start3A_21, %dma_start3A_22] : memref<1000000x128xf32, #tpu.memory_space<hbm>> -> memref<1000000x128xf32, #tpu.memory_space<hbm>>
    tpu.enqueue_indirect_dma source(%dma_start3A_23 : memref<1000000x128xf32, #tpu.memory_space<hbm>>) target(%dma_start3A_13 : memref<128x128xf32, #tpu.memory_space<vmem>>) offsets(%dma_start3A_20 : memref<128xi32, #tpu.memory_space<vmem>>) semaphore(%arg10 : memref<!tpu.dma_semaphore, #tpu.memory_space<semaphore_mem>>)
    %dma_start3A_24 = arith.constant 0 : i32
    %dma_start3A_25 = arith.constant 1 : i32
    %dma_start3A_26 = arith.constant 1 : i32
    %dma_start3A_27 = arith.constant 0 : i32
    %dma_start3A_28 = arith.constant 0 : i32
    %dma_start3A_29 = tpu.memref_slice %arg9[%dma_start3A_26, %dma_start3A_27, %dma_start3A_28] : memref<4x128x128xf32, #tpu.memory_space<vmem>> -> memref<1x128x128xf32, #tpu.memory_space<vmem>>
    %dma_start3A_30 = tpu.memref_squeeze %dma_start3A_29 : memref<1x128x128xf32, #tpu.memory_space<vmem>> -> memref<128x128xf32, #tpu.memory_space<vmem>>
    %dma_start3A_31 = arith.constant 0 : i32
    %dma_start3A_32 = arith.constant 0 : i32
    %dma_start3A_33 = tpu.memref_slice %arg8[%dma_start3A_24, %dma_start3A_31, %dma_start3A_32] : memref<2x2x128xi32, #tpu.memory_space<vmem>> -> memref<1x2x128xi32, #tpu.memory_space<vmem>>
    %dma_start3A_34 = tpu.memref_squeeze %dma_start3A_33 : memref<1x2x128xi32, #tpu.memory_space<vmem>> -> memref<2x128xi32, #tpu.memory_space<vmem>>
    %dma_start3A_35 = arith.constant 0 : i32
    %dma_start3A_36 = tpu.memref_slice %dma_start3A_34[%dma_start3A_25, %dma_start3A_35] : memref<2x128xi32, #tpu.memory_space<vmem>> -> memref<1x128xi32, #tpu.memory_space<vmem>>
    %dma_start3A_37 = tpu.memref_squeeze %dma_start3A_36 : memref<1x128xi32, #tpu.memory_space<vmem>> -> memref<128xi32, #tpu.memory_space<vmem>>
    %dma_start3A_38 = arith.constant 0 : i32
    %dma_start3A_39 = arith.constant 0 : i32
    %dma_start3A_40 = tpu.memref_slice %arg2[%dma_start3A_38, %dma_start3A_39] : memref<1000000x128xf32, #tpu.memory_space<hbm>> -> memref<1000000x128xf32, #tpu.memory_space<hbm>>
    tpu.enqueue_indirect_dma source(%dma_start3A_40 : memref<1000000x128xf32, #tpu.memory_space<hbm>>) target(%dma_start3A_30 : memref<128x128xf32, #tpu.memory_space<vmem>>) offsets(%dma_start3A_37 : memref<128xi32, #tpu.memory_space<vmem>>) semaphore(%arg10 : memref<!tpu.dma_semaphore, #tpu.memory_space<semaphore_mem>>)
    %dma_start3A_41 = arith.constant 1 : i32
    %dma_start3A_42 = arith.constant 0 : i32
    %dma_start3A_43 = arith.constant 2 : i32
    %dma_start3A_44 = arith.constant 0 : i32
    %dma_start3A_45 = arith.constant 0 : i32
    %dma_start3A_46 = tpu.memref_slice %arg9[%dma_start3A_43, %dma_start3A_44, %dma_start3A_45] : memref<4x128x128xf32, #tpu.memory_space<vmem>> -> memref<1x128x128xf32, #tpu.memory_space<vmem>>
    %dma_start3A_47 = tpu.memref_squeeze %dma_start3A_46 : memref<1x128x128xf32, #tpu.memory_space<vmem>> -> memref<128x128xf32, #tpu.memory_space<vmem>>
    %dma_start3A_48 = arith.constant 0 : i32
    %dma_start3A_49 = arith.constant 0 : i32
    %dma_start3A_50 = tpu.memref_slice %arg8[%dma_start3A_41, %dma_start3A_48, %dma_start3A_49] : memref<2x2x128xi32, #tpu.memory_space<vmem>> -> memref<1x2x128xi32, #tpu.memory_space<vmem>>
    %dma_start3A_51 = tpu.memref_squeeze %dma_start3A_50 : memref<1x2x128xi32, #tpu.memory_space<vmem>> -> memref<2x128xi32, #tpu.memory_space<vmem>>
    %dma_start3A_52 = arith.constant 0 : i32
    %dma_start3A_53 = tpu.memref_slice %dma_start3A_51[%dma_start3A_42, %dma_start3A_52] : memref<2x128xi32, #tpu.memory_space<vmem>> -> memref<1x128xi32, #tpu.memory_space<vmem>>
    %dma_start3A_54 = tpu.memref_squeeze %dma_start3A_53 : memref<1x128xi32, #tpu.memory_space<vmem>> -> memref<128xi32, #tpu.memory_space<vmem>>
    %dma_start3A_55 = arith.constant 0 : i32
    %dma_start3A_56 = arith.constant 0 : i32
    %dma_start3A_57 = tpu.memref_slice %arg3[%dma_start3A_55, %dma_start3A_56] : memref<100000x128xf32, #tpu.memory_space<hbm>> -> memref<100000x128xf32, #tpu.memory_space<hbm>>
    tpu.enqueue_indirect_dma source(%dma_start3A_57 : memref<100000x128xf32, #tpu.memory_space<hbm>>) target(%dma_start3A_47 : memref<128x128xf32, #tpu.memory_space<vmem>>) offsets(%dma_start3A_54 : memref<128xi32, #tpu.memory_space<vmem>>) semaphore(%arg10 : memref<!tpu.dma_semaphore, #tpu.memory_space<semaphore_mem>>)
    %dma_start3A_58 = arith.constant 1 : i32
    %dma_start3A_59 = arith.constant 1 : i32
    %dma_start3A_60 = arith.constant 3 : i32
    %dma_start3A_61 = arith.constant 0 : i32
    %dma_start3A_62 = arith.constant 0 : i32
    %dma_start3A_63 = tpu.memref_slice %arg9[%dma_start3A_60, %dma_start3A_61, %dma_start3A_62] : memref<4x128x128xf32, #tpu.memory_space<vmem>> -> memref<1x128x128xf32, #tpu.memory_space<vmem>>
    %dma_start3A_64 = tpu.memref_squeeze %dma_start3A_63 : memref<1x128x128xf32, #tpu.memory_space<vmem>> -> memref<128x128xf32, #tpu.memory_space<vmem>>
    %dma_start3A_65 = arith.constant 0 : i32
    %dma_start3A_66 = arith.constant 0 : i32
    %dma_start3A_67 = tpu.memref_slice %arg8[%dma_start3A_58, %dma_start3A_65, %dma_start3A_66] : memref<2x2x128xi32, #tpu.memory_space<vmem>> -> memref<1x2x128xi32, #tpu.memory_space<vmem>>
    %dma_start3A_68 = tpu.memref_squeeze %dma_start3A_67 : memref<1x2x128xi32, #tpu.memory_space<vmem>> -> memref<2x128xi32, #tpu.memory_space<vmem>>
    %dma_start3A_69 = arith.constant 0 : i32
    %dma_start3A_70 = tpu.memref_slice %dma_start3A_68[%dma_start3A_59, %dma_start3A_69] : memref<2x128xi32, #tpu.memory_space<vmem>> -> memref<1x128xi32, #tpu.memory_space<vmem>>
    %dma_start3A_71 = tpu.memref_squeeze %dma_start3A_70 : memref<1x128xi32, #tpu.memory_space<vmem>> -> memref<128xi32, #tpu.memory_space<vmem>>
    %dma_start3A_72 = arith.constant 0 : i32
    %dma_start3A_73 = arith.constant 0 : i32
    %dma_start3A_74 = tpu.memref_slice %arg3[%dma_start3A_72, %dma_start3A_73] : memref<100000x128xf32, #tpu.memory_space<hbm>> -> memref<100000x128xf32, #tpu.memory_space<hbm>>
    tpu.enqueue_indirect_dma source(%dma_start3A_74 : memref<100000x128xf32, #tpu.memory_space<hbm>>) target(%dma_start3A_64 : memref<128x128xf32, #tpu.memory_space<vmem>>) offsets(%dma_start3A_71 : memref<128xi32, #tpu.memory_space<vmem>>) semaphore(%arg10 : memref<!tpu.dma_semaphore, #tpu.memory_space<semaphore_mem>>)
    %dma_wait3A = arith.constant 0 : i32
    %dma_wait3A_75 = arith.constant 0 : i32
    %dma_wait3A_76 = arith.constant 0 : i32
    %dma_wait3A_77 = arith.constant 0 : i32
    %dma_wait3A_78 = arith.constant 0 : i32
    %dma_wait3A_79 = tpu.memref_slice %arg9[%dma_wait3A_76, %dma_wait3A_77, %dma_wait3A_78] : memref<4x128x128xf32, #tpu.memory_space<vmem>> -> memref<1x128x128xf32, #tpu.memory_space<vmem>>
    %dma_wait3A_80 = tpu.memref_squeeze %dma_wait3A_79 : memref<1x128x128xf32, #tpu.memory_space<vmem>> -> memref<128x128xf32, #tpu.memory_space<vmem>>
    %dma_wait3A_81 = arith.constant 0 : i32
    %dma_wait3A_82 = arith.constant 0 : i32
    %dma_wait3A_83 = tpu.memref_slice %arg8[%dma_wait3A, %dma_wait3A_81, %dma_wait3A_82] : memref<2x2x128xi32, #tpu.memory_space<vmem>> -> memref<1x2x128xi32, #tpu.memory_space<vmem>>
    %dma_wait3A_84 = tpu.memref_squeeze %dma_wait3A_83 : memref<1x2x128xi32, #tpu.memory_space<vmem>> -> memref<2x128xi32, #tpu.memory_space<vmem>>
    %dma_wait3A_85 = arith.constant 0 : i32
    %dma_wait3A_86 = tpu.memref_slice %dma_wait3A_84[%dma_wait3A_75, %dma_wait3A_85] : memref<2x128xi32, #tpu.memory_space<vmem>> -> memref<1x128xi32, #tpu.memory_space<vmem>>
    %dma_wait3A_87 = tpu.memref_squeeze %dma_wait3A_86 : memref<1x128xi32, #tpu.memory_space<vmem>> -> memref<128xi32, #tpu.memory_space<vmem>>
    %dma_wait3A_88 = arith.constant 0 : i32
    %dma_wait3A_89 = arith.constant 0 : i32
    %dma_wait3A_90 = tpu.memref_slice %arg2[%dma_wait3A_88, %dma_wait3A_89] : memref<1000000x128xf32, #tpu.memory_space<hbm>> -> memref<1000000x128xf32, #tpu.memory_space<hbm>>
    tpu.wait_indirect_dma semaphore(%arg10 : memref<!tpu.dma_semaphore, #tpu.memory_space<semaphore_mem>>) src(%dma_wait3A_90 : memref<1000000x128xf32, #tpu.memory_space<hbm>>) dst(%dma_wait3A_80 : memref<128x128xf32, #tpu.memory_space<vmem>>)
    %add3A_91 = arith.constant 0 : i32
    %add3A_92 = arith.addi %mul3A_2, %add3A_91 : i32
    %dma_start3A_93 = arith.constant 0 : i32
    %dma_start3A_94 = arith.constant 0 : i32
    %dma_start3A_95 = arith.constant 0 : i32
    %dma_start3A_96 = tpu.memref_slice %arg9[%dma_start3A_93, %dma_start3A_94, %dma_start3A_95] : memref<4x128x128xf32, #tpu.memory_space<vmem>> -> memref<1x128x128xf32, #tpu.memory_space<vmem>>
    %dma_start3A_97 = tpu.memref_squeeze %dma_start3A_96 : memref<1x128x128xf32, #tpu.memory_space<vmem>> -> memref<128x128xf32, #tpu.memory_space<vmem>>
    %dma_start3A_98 = arith.constant 0 : i32
    %dma_start3A_99 = tpu.memref_slice %arg6[%add3A_92, %dma_start3A_98] : memref<8192x128xf32, #tpu.memory_space<hbm>> -> memref<128x128xf32, #tpu.memory_space<hbm>>
    %dma_start3A_100 = arith.constant 0 : i32
    %dma_start3A_101 = tpu.memref_slice %arg6[%add3A_92, %dma_start3A_100] : memref<8192x128xf32, #tpu.memory_space<hbm>> -> memref<128x128xf32, #tpu.memory_space<hbm>>
    %dma_start3A_102 = arith.constant 0 : i32
    %dma_start3A_103 = arith.constant 0 : i32
    %dma_start3A_104 = tpu.memref_slice %arg9[%dma_start3A_93, %dma_start3A_102, %dma_start3A_103] : memref<4x128x128xf32, #tpu.memory_space<vmem>> -> memref<1x128x128xf32, #tpu.memory_space<vmem>>
    %dma_start3A_105 = tpu.memref_squeeze %dma_start3A_104 : memref<1x128x128xf32, #tpu.memory_space<vmem>> -> memref<128x128xf32, #tpu.memory_space<vmem>>
    tpu.enqueue_dma source(%dma_start3A_105 : memref<128x128xf32, #tpu.memory_space<vmem>>) target(%dma_start3A_101 : memref<128x128xf32, #tpu.memory_space<hbm>>) target_semaphore(%arg11 : memref<!tpu.dma_semaphore, #tpu.memory_space<semaphore_mem>>)
    %dma_wait3A_106 = arith.constant 0 : i32
    %dma_wait3A_107 = arith.constant 1 : i32
    %dma_wait3A_108 = arith.constant 1 : i32
    %dma_wait3A_109 = arith.constant 0 : i32
    %dma_wait3A_110 = arith.constant 0 : i32
    %dma_wait3A_111 = tpu.memref_slice %arg9[%dma_wait3A_108, %dma_wait3A_109, %dma_wait3A_110] : memref<4x128x128xf32, #tpu.memory_space<vmem>> -> memref<1x128x128xf32, #tpu.memory_space<vmem>>
    %dma_wait3A_112 = tpu.memref_squeeze %dma_wait3A_111 : memref<1x128x128xf32, #tpu.memory_space<vmem>> -> memref<128x128xf32, #tpu.memory_space<vmem>>
    %dma_wait3A_113 = arith.constant 0 : i32
    %dma_wait3A_114 = arith.constant 0 : i32
    %dma_wait3A_115 = tpu.memref_slice %arg8[%dma_wait3A_106, %dma_wait3A_113, %dma_wait3A_114] : memref<2x2x128xi32, #tpu.memory_space<vmem>> -> memref<1x2x128xi32, #tpu.memory_space<vmem>>
    %dma_wait3A_116 = tpu.memref_squeeze %dma_wait3A_115 : memref<1x2x128xi32, #tpu.memory_space<vmem>> -> memref<2x128xi32, #tpu.memory_space<vmem>>
    %dma_wait3A_117 = arith.constant 0 : i32
    %dma_wait3A_118 = tpu.memref_slice %dma_wait3A_116[%dma_wait3A_107, %dma_wait3A_117] : memref<2x128xi32, #tpu.memory_space<vmem>> -> memref<1x128xi32, #tpu.memory_space<vmem>>
    %dma_wait3A_119 = tpu.memref_squeeze %dma_wait3A_118 : memref<1x128xi32, #tpu.memory_space<vmem>> -> memref<128xi32, #tpu.memory_space<vmem>>
    %dma_wait3A_120 = arith.constant 0 : i32
    %dma_wait3A_121 = arith.constant 0 : i32
    %dma_wait3A_122 = tpu.memref_slice %arg2[%dma_wait3A_120, %dma_wait3A_121] : memref<1000000x128xf32, #tpu.memory_space<hbm>> -> memref<1000000x128xf32, #tpu.memory_space<hbm>>
    tpu.wait_indirect_dma semaphore(%arg10 : memref<!tpu.dma_semaphore, #tpu.memory_space<semaphore_mem>>) src(%dma_wait3A_122 : memref<1000000x128xf32, #tpu.memory_space<hbm>>) dst(%dma_wait3A_112 : memref<128x128xf32, #tpu.memory_space<vmem>>)
    %add3A_123 = arith.constant 128 : i32
    %add3A_124 = arith.addi %mul3A_2, %add3A_123 : i32
    %dma_start3A_125 = arith.constant 1 : i32
    %dma_start3A_126 = arith.constant 0 : i32
    %dma_start3A_127 = arith.constant 0 : i32
    %dma_start3A_128 = tpu.memref_slice %arg9[%dma_start3A_125, %dma_start3A_126, %dma_start3A_127] : memref<4x128x128xf32, #tpu.memory_space<vmem>> -> memref<1x128x128xf32, #tpu.memory_space<vmem>>
    %dma_start3A_129 = tpu.memref_squeeze %dma_start3A_128 : memref<1x128x128xf32, #tpu.memory_space<vmem>> -> memref<128x128xf32, #tpu.memory_space<vmem>>
    %dma_start3A_130 = arith.constant 0 : i32
    %dma_start3A_131 = tpu.memref_slice %arg6[%add3A_124, %dma_start3A_130] : memref<8192x128xf32, #tpu.memory_space<hbm>> -> memref<128x128xf32, #tpu.memory_space<hbm>>
    %dma_start3A_132 = arith.constant 0 : i32
    %dma_start3A_133 = tpu.memref_slice %arg6[%add3A_124, %dma_start3A_132] : memref<8192x128xf32, #tpu.memory_space<hbm>> -> memref<128x128xf32, #tpu.memory_space<hbm>>
    %dma_start3A_134 = arith.constant 0 : i32
    %dma_start3A_135 = arith.constant 0 : i32
    %dma_start3A_136 = tpu.memref_slice %arg9[%dma_start3A_125, %dma_start3A_134, %dma_start3A_135] : memref<4x128x128xf32, #tpu.memory_space<vmem>> -> memref<1x128x128xf32, #tpu.memory_space<vmem>>
    %dma_start3A_137 = tpu.memref_squeeze %dma_start3A_136 : memref<1x128x128xf32, #tpu.memory_space<vmem>> -> memref<128x128xf32, #tpu.memory_space<vmem>>
    tpu.enqueue_dma source(%dma_start3A_137 : memref<128x128xf32, #tpu.memory_space<vmem>>) target(%dma_start3A_133 : memref<128x128xf32, #tpu.memory_space<hbm>>) target_semaphore(%arg11 : memref<!tpu.dma_semaphore, #tpu.memory_space<semaphore_mem>>)
    %dma_wait3A_138 = arith.constant 1 : i32
    %dma_wait3A_139 = arith.constant 0 : i32
    %dma_wait3A_140 = arith.constant 2 : i32
    %dma_wait3A_141 = arith.constant 0 : i32
    %dma_wait3A_142 = arith.constant 0 : i32
    %dma_wait3A_143 = tpu.memref_slice %arg9[%dma_wait3A_140, %dma_wait3A_141, %dma_wait3A_142] : memref<4x128x128xf32, #tpu.memory_space<vmem>> -> memref<1x128x128xf32, #tpu.memory_space<vmem>>
    %dma_wait3A_144 = tpu.memref_squeeze %dma_wait3A_143 : memref<1x128x128xf32, #tpu.memory_space<vmem>> -> memref<128x128xf32, #tpu.memory_space<vmem>>
    %dma_wait3A_145 = arith.constant 0 : i32
    %dma_wait3A_146 = arith.constant 0 : i32
    %dma_wait3A_147 = tpu.memref_slice %arg8[%dma_wait3A_138, %dma_wait3A_145, %dma_wait3A_146] : memref<2x2x128xi32, #tpu.memory_space<vmem>> -> memref<1x2x128xi32, #tpu.memory_space<vmem>>
    %dma_wait3A_148 = tpu.memref_squeeze %dma_wait3A_147 : memref<1x2x128xi32, #tpu.memory_space<vmem>> -> memref<2x128xi32, #tpu.memory_space<vmem>>
    %dma_wait3A_149 = arith.constant 0 : i32
    %dma_wait3A_150 = tpu.memref_slice %dma_wait3A_148[%dma_wait3A_139, %dma_wait3A_149] : memref<2x128xi32, #tpu.memory_space<vmem>> -> memref<1x128xi32, #tpu.memory_space<vmem>>
    %dma_wait3A_151 = tpu.memref_squeeze %dma_wait3A_150 : memref<1x128xi32, #tpu.memory_space<vmem>> -> memref<128xi32, #tpu.memory_space<vmem>>
    %dma_wait3A_152 = arith.constant 0 : i32
    %dma_wait3A_153 = arith.constant 0 : i32
    %dma_wait3A_154 = tpu.memref_slice %arg3[%dma_wait3A_152, %dma_wait3A_153] : memref<100000x128xf32, #tpu.memory_space<hbm>> -> memref<100000x128xf32, #tpu.memory_space<hbm>>
    tpu.wait_indirect_dma semaphore(%arg10 : memref<!tpu.dma_semaphore, #tpu.memory_space<semaphore_mem>>) src(%dma_wait3A_154 : memref<100000x128xf32, #tpu.memory_space<hbm>>) dst(%dma_wait3A_144 : memref<128x128xf32, #tpu.memory_space<vmem>>)
    %add3A_155 = arith.constant 0 : i32
    %add3A_156 = arith.addi %mul3A_2, %add3A_155 : i32
    %dma_start3A_157 = arith.constant 2 : i32
    %dma_start3A_158 = arith.constant 0 : i32
    %dma_start3A_159 = arith.constant 0 : i32
    %dma_start3A_160 = tpu.memref_slice %arg9[%dma_start3A_157, %dma_start3A_158, %dma_start3A_159] : memref<4x128x128xf32, #tpu.memory_space<vmem>> -> memref<1x128x128xf32, #tpu.memory_space<vmem>>
    %dma_start3A_161 = tpu.memref_squeeze %dma_start3A_160 : memref<1x128x128xf32, #tpu.memory_space<vmem>> -> memref<128x128xf32, #tpu.memory_space<vmem>>
    %dma_start3A_162 = arith.constant 0 : i32
    %dma_start3A_163 = tpu.memref_slice %arg7[%add3A_156, %dma_start3A_162] : memref<8192x128xf32, #tpu.memory_space<hbm>> -> memref<128x128xf32, #tpu.memory_space<hbm>>
    %dma_start3A_164 = arith.constant 0 : i32
    %dma_start3A_165 = tpu.memref_slice %arg7[%add3A_156, %dma_start3A_164] : memref<8192x128xf32, #tpu.memory_space<hbm>> -> memref<128x128xf32, #tpu.memory_space<hbm>>
    %dma_start3A_166 = arith.constant 0 : i32
    %dma_start3A_167 = arith.constant 0 : i32
    %dma_start3A_168 = tpu.memref_slice %arg9[%dma_start3A_157, %dma_start3A_166, %dma_start3A_167] : memref<4x128x128xf32, #tpu.memory_space<vmem>> -> memref<1x128x128xf32, #tpu.memory_space<vmem>>
    %dma_start3A_169 = tpu.memref_squeeze %dma_start3A_168 : memref<1x128x128xf32, #tpu.memory_space<vmem>> -> memref<128x128xf32, #tpu.memory_space<vmem>>
    tpu.enqueue_dma source(%dma_start3A_169 : memref<128x128xf32, #tpu.memory_space<vmem>>) target(%dma_start3A_165 : memref<128x128xf32, #tpu.memory_space<hbm>>) target_semaphore(%arg11 : memref<!tpu.dma_semaphore, #tpu.memory_space<semaphore_mem>>)
    %dma_wait3A_170 = arith.constant 1 : i32
    %dma_wait3A_171 = arith.constant 1 : i32
    %dma_wait3A_172 = arith.constant 3 : i32
    %dma_wait3A_173 = arith.constant 0 : i32
    %dma_wait3A_174 = arith.constant 0 : i32
    %dma_wait3A_175 = tpu.memref_slice %arg9[%dma_wait3A_172, %dma_wait3A_173, %dma_wait3A_174] : memref<4x128x128xf32, #tpu.memory_space<vmem>> -> memref<1x128x128xf32, #tpu.memory_space<vmem>>
    %dma_wait3A_176 = tpu.memref_squeeze %dma_wait3A_175 : memref<1x128x128xf32, #tpu.memory_space<vmem>> -> memref<128x128xf32, #tpu.memory_space<vmem>>
    %dma_wait3A_177 = arith.constant 0 : i32
    %dma_wait3A_178 = arith.constant 0 : i32
    %dma_wait3A_179 = tpu.memref_slice %arg8[%dma_wait3A_170, %dma_wait3A_177, %dma_wait3A_178] : memref<2x2x128xi32, #tpu.memory_space<vmem>> -> memref<1x2x128xi32, #tpu.memory_space<vmem>>
    %dma_wait3A_180 = tpu.memref_squeeze %dma_wait3A_179 : memref<1x2x128xi32, #tpu.memory_space<vmem>> -> memref<2x128xi32, #tpu.memory_space<vmem>>
    %dma_wait3A_181 = arith.constant 0 : i32
    %dma_wait3A_182 = tpu.memref_slice %dma_wait3A_180[%dma_wait3A_171, %dma_wait3A_181] : memref<2x128xi32, #tpu.memory_space<vmem>> -> memref<1x128xi32, #tpu.memory_space<vmem>>
    %dma_wait3A_183 = tpu.memref_squeeze %dma_wait3A_182 : memref<1x128xi32, #tpu.memory_space<vmem>> -> memref<128xi32, #tpu.memory_space<vmem>>
    %dma_wait3A_184 = arith.constant 0 : i32
    %dma_wait3A_185 = arith.constant 0 : i32
    %dma_wait3A_186 = tpu.memref_slice %arg3[%dma_wait3A_184, %dma_wait3A_185] : memref<100000x128xf32, #tpu.memory_space<hbm>> -> memref<100000x128xf32, #tpu.memory_space<hbm>>
    tpu.wait_indirect_dma semaphore(%arg10 : memref<!tpu.dma_semaphore, #tpu.memory_space<semaphore_mem>>) src(%dma_wait3A_186 : memref<100000x128xf32, #tpu.memory_space<hbm>>) dst(%dma_wait3A_176 : memref<128x128xf32, #tpu.memory_space<vmem>>)
    %add3A_187 = arith.constant 128 : i32
    %add3A_188 = arith.addi %mul3A_2, %add3A_187 : i32
    %dma_start3A_189 = arith.constant 3 : i32
    %dma_start3A_190 = arith.constant 0 : i32
    %dma_start3A_191 = arith.constant 0 : i32
    %dma_start3A_192 = tpu.memref_slice %arg9[%dma_start3A_189, %dma_start3A_190, %dma_start3A_191] : memref<4x128x128xf32, #tpu.memory_space<vmem>> -> memref<1x128x128xf32, #tpu.memory_space<vmem>>
    %dma_start3A_193 = tpu.memref_squeeze %dma_start3A_192 : memref<1x128x128xf32, #tpu.memory_space<vmem>> -> memref<128x128xf32, #tpu.memory_space<vmem>>
    %dma_start3A_194 = arith.constant 0 : i32
    %dma_start3A_195 = tpu.memref_slice %arg7[%add3A_188, %dma_start3A_194] : memref<8192x128xf32, #tpu.memory_space<hbm>> -> memref<128x128xf32, #tpu.memory_space<hbm>>
    %dma_start3A_196 = arith.constant 0 : i32
    %dma_start3A_197 = tpu.memref_slice %arg7[%add3A_188, %dma_start3A_196] : memref<8192x128xf32, #tpu.memory_space<hbm>> -> memref<128x128xf32, #tpu.memory_space<hbm>>
    %dma_start3A_198 = arith.constant 0 : i32
    %dma_start3A_199 = arith.constant 0 : i32
    %dma_start3A_200 = tpu.memref_slice %arg9[%dma_start3A_189, %dma_start3A_198, %dma_start3A_199] : memref<4x128x128xf32, #tpu.memory_space<vmem>> -> memref<1x128x128xf32, #tpu.memory_space<vmem>>
    %dma_start3A_201 = tpu.memref_squeeze %dma_start3A_200 : memref<1x128x128xf32, #tpu.memory_space<vmem>> -> memref<128x128xf32, #tpu.memory_space<vmem>>
    tpu.enqueue_dma source(%dma_start3A_201 : memref<128x128xf32, #tpu.memory_space<vmem>>) target(%dma_start3A_197 : memref<128x128xf32, #tpu.memory_space<hbm>>) target_semaphore(%arg11 : memref<!tpu.dma_semaphore, #tpu.memory_space<semaphore_mem>>)
    %dma_wait3A_202 = arith.constant 0 : i32
    %dma_wait3A_203 = arith.constant 0 : i32
    %dma_wait3A_204 = arith.constant 0 : i32
    %dma_wait3A_205 = tpu.memref_slice %arg9[%dma_wait3A_202, %dma_wait3A_203, %dma_wait3A_204] : memref<4x128x128xf32, #tpu.memory_space<vmem>> -> memref<1x128x128xf32, #tpu.memory_space<vmem>>
    %dma_wait3A_206 = tpu.memref_squeeze %dma_wait3A_205 : memref<1x128x128xf32, #tpu.memory_space<vmem>> -> memref<128x128xf32, #tpu.memory_space<vmem>>
    %dma_wait3A_207 = arith.constant 0 : i32
    %dma_wait3A_208 = tpu.memref_slice %arg6[%add3A_92, %dma_wait3A_207] : memref<8192x128xf32, #tpu.memory_space<hbm>> -> memref<128x128xf32, #tpu.memory_space<hbm>>
    %dma_wait3A_209 = arith.constant 0 : i32
    %dma_wait3A_210 = tpu.memref_slice %arg6[%add3A_92, %dma_wait3A_209] : memref<8192x128xf32, #tpu.memory_space<hbm>> -> memref<128x128xf32, #tpu.memory_space<hbm>>
    %dma_wait3A_211 = arith.constant 0 : i32
    %dma_wait3A_212 = arith.constant 0 : i32
    %dma_wait3A_213 = tpu.memref_slice %arg9[%dma_wait3A_202, %dma_wait3A_211, %dma_wait3A_212] : memref<4x128x128xf32, #tpu.memory_space<vmem>> -> memref<1x128x128xf32, #tpu.memory_space<vmem>>
    %dma_wait3A_214 = tpu.memref_squeeze %dma_wait3A_213 : memref<1x128x128xf32, #tpu.memory_space<vmem>> -> memref<128x128xf32, #tpu.memory_space<vmem>>
    tpu.wait_dma2 semaphore(%arg11 : memref<!tpu.dma_semaphore, #tpu.memory_space<semaphore_mem>>) src(%dma_wait3A_214 : memref<128x128xf32, #tpu.memory_space<vmem>>) dst(%dma_wait3A_210 : memref<128x128xf32, #tpu.memory_space<hbm>>)
    %dma_wait3A_215 = arith.constant 1 : i32
    %dma_wait3A_216 = arith.constant 0 : i32
    %dma_wait3A_217 = arith.constant 0 : i32
    %dma_wait3A_218 = tpu.memref_slice %arg9[%dma_wait3A_215, %dma_wait3A_216, %dma_wait3A_217] : memref<4x128x128xf32, #tpu.memory_space<vmem>> -> memref<1x128x128xf32, #tpu.memory_space<vmem>>
    %dma_wait3A_219 = tpu.memref_squeeze %dma_wait3A_218 : memref<1x128x128xf32, #tpu.memory_space<vmem>> -> memref<128x128xf32, #tpu.memory_space<vmem>>
    %dma_wait3A_220 = arith.constant 0 : i32
    %dma_wait3A_221 = tpu.memref_slice %arg6[%add3A_124, %dma_wait3A_220] : memref<8192x128xf32, #tpu.memory_space<hbm>> -> memref<128x128xf32, #tpu.memory_space<hbm>>
    %dma_wait3A_222 = arith.constant 0 : i32
    %dma_wait3A_223 = tpu.memref_slice %arg6[%add3A_124, %dma_wait3A_222] : memref<8192x128xf32, #tpu.memory_space<hbm>> -> memref<128x128xf32, #tpu.memory_space<hbm>>
    %dma_wait3A_224 = arith.constant 0 : i32
    %dma_wait3A_225 = arith.constant 0 : i32
    %dma_wait3A_226 = tpu.memref_slice %arg9[%dma_wait3A_215, %dma_wait3A_224, %dma_wait3A_225] : memref<4x128x128xf32, #tpu.memory_space<vmem>> -> memref<1x128x128xf32, #tpu.memory_space<vmem>>
    %dma_wait3A_227 = tpu.memref_squeeze %dma_wait3A_226 : memref<1x128x128xf32, #tpu.memory_space<vmem>> -> memref<128x128xf32, #tpu.memory_space<vmem>>
    tpu.wait_dma2 semaphore(%arg11 : memref<!tpu.dma_semaphore, #tpu.memory_space<semaphore_mem>>) src(%dma_wait3A_227 : memref<128x128xf32, #tpu.memory_space<vmem>>) dst(%dma_wait3A_223 : memref<128x128xf32, #tpu.memory_space<hbm>>)
    %dma_wait3A_228 = arith.constant 2 : i32
    %dma_wait3A_229 = arith.constant 0 : i32
    %dma_wait3A_230 = arith.constant 0 : i32
    %dma_wait3A_231 = tpu.memref_slice %arg9[%dma_wait3A_228, %dma_wait3A_229, %dma_wait3A_230] : memref<4x128x128xf32, #tpu.memory_space<vmem>> -> memref<1x128x128xf32, #tpu.memory_space<vmem>>
    %dma_wait3A_232 = tpu.memref_squeeze %dma_wait3A_231 : memref<1x128x128xf32, #tpu.memory_space<vmem>> -> memref<128x128xf32, #tpu.memory_space<vmem>>
    %dma_wait3A_233 = arith.constant 0 : i32
    %dma_wait3A_234 = tpu.memref_slice %arg7[%add3A_156, %dma_wait3A_233] : memref<8192x128xf32, #tpu.memory_space<hbm>> -> memref<128x128xf32, #tpu.memory_space<hbm>>
    %dma_wait3A_235 = arith.constant 0 : i32
    %dma_wait3A_236 = tpu.memref_slice %arg7[%add3A_156, %dma_wait3A_235] : memref<8192x128xf32, #tpu.memory_space<hbm>> -> memref<128x128xf32, #tpu.memory_space<hbm>>
    %dma_wait3A_237 = arith.constant 0 : i32
    %dma_wait3A_238 = arith.constant 0 : i32
    %dma_wait3A_239 = tpu.memref_slice %arg9[%dma_wait3A_228, %dma_wait3A_237, %dma_wait3A_238] : memref<4x128x128xf32, #tpu.memory_space<vmem>> -> memref<1x128x128xf32, #tpu.memory_space<vmem>>
    %dma_wait3A_240 = tpu.memref_squeeze %dma_wait3A_239 : memref<1x128x128xf32, #tpu.memory_space<vmem>> -> memref<128x128xf32, #tpu.memory_space<vmem>>
    tpu.wait_dma2 semaphore(%arg11 : memref<!tpu.dma_semaphore, #tpu.memory_space<semaphore_mem>>) src(%dma_wait3A_240 : memref<128x128xf32, #tpu.memory_space<vmem>>) dst(%dma_wait3A_236 : memref<128x128xf32, #tpu.memory_space<hbm>>)
    %dma_wait3A_241 = arith.constant 3 : i32
    %dma_wait3A_242 = arith.constant 0 : i32
    %dma_wait3A_243 = arith.constant 0 : i32
    %dma_wait3A_244 = tpu.memref_slice %arg9[%dma_wait3A_241, %dma_wait3A_242, %dma_wait3A_243] : memref<4x128x128xf32, #tpu.memory_space<vmem>> -> memref<1x128x128xf32, #tpu.memory_space<vmem>>
    %dma_wait3A_245 = tpu.memref_squeeze %dma_wait3A_244 : memref<1x128x128xf32, #tpu.memory_space<vmem>> -> memref<128x128xf32, #tpu.memory_space<vmem>>
    %dma_wait3A_246 = arith.constant 0 : i32
    %dma_wait3A_247 = tpu.memref_slice %arg7[%add3A_188, %dma_wait3A_246] : memref<8192x128xf32, #tpu.memory_space<hbm>> -> memref<128x128xf32, #tpu.memory_space<hbm>>
    %dma_wait3A_248 = arith.constant 0 : i32
    %dma_wait3A_249 = tpu.memref_slice %arg7[%add3A_188, %dma_wait3A_248] : memref<8192x128xf32, #tpu.memory_space<hbm>> -> memref<128x128xf32, #tpu.memory_space<hbm>>
    %dma_wait3A_250 = arith.constant 0 : i32
    %dma_wait3A_251 = arith.constant 0 : i32
    %dma_wait3A_252 = tpu.memref_slice %arg9[%dma_wait3A_241, %dma_wait3A_250, %dma_wait3A_251] : memref<4x128x128xf32, #tpu.memory_space<vmem>> -> memref<1x128x128xf32, #tpu.memory_space<vmem>>
    %dma_wait3A_253 = tpu.memref_squeeze %dma_wait3A_252 : memref<1x128x128xf32, #tpu.memory_space<vmem>> -> memref<128x128xf32, #tpu.memory_space<vmem>>
    tpu.wait_dma2 semaphore(%arg11 : memref<!tpu.dma_semaphore, #tpu.memory_space<semaphore_mem>>) src(%dma_wait3A_253 : memref<128x128xf32, #tpu.memory_space<vmem>>) dst(%dma_wait3A_249 : memref<128x128xf32, #tpu.memory_space<hbm>>)
    return
  }
}

#map = affine_map<(d0, d1) -> (0, 0)>
module attributes {stable_mosaic.version = 14 : i64} {
  func.func @_sc_gather_body(%arg0: i32, %arg1: i32, %arg2: memref<1000000x128xf32, #tpu.memory_space<hbm>>, %arg3: memref<100000x128xf32, #tpu.memory_space<hbm>>, %arg4: memref<64x128xi32, #tpu.memory_space<hbm>>, %arg5: memref<64x128xi32, #tpu.memory_space<hbm>>, %arg6: memref<8192x128xf32, #tpu.memory_space<hbm>>, %arg7: memref<8192x128xf32, #tpu.memory_space<hbm>>, %arg8: memref<2x2x128xi32, #tpu.memory_space<vmem>>, %arg9: memref<4x128x128xf32, #tpu.memory_space<vmem>>, %arg10: memref<!tpu.dma_semaphore, #tpu.memory_space<semaphore_mem>>, %arg11: memref<!tpu.dma_semaphore, #tpu.memory_space<semaphore_mem>>) attributes {dimension_semantics = [#tpu.dimension_semantics<core_parallel>, #tpu.dimension_semantics<subcore_parallel>], iteration_bounds = array<i64: 2, 16>, scalar_prefetch = 0 : i64, scratch_operands = 4 : i64, tpu.core_type = #tpu.core_type<sc_vector_subcore>, window_params = [{transform_indices = #map}, {transform_indices = #map}, {transform_indices = #map}, {transform_indices = #map}, {transform_indices = #map}, {transform_indices = #map}]} {
    %mul3A = arith.constant 2 : i32
    %mul3A_0 = arith.muli %arg1, %mul3A : i32
    %add3A = arith.addi %mul3A_0, %arg0 : i32
    %mul3A_1 = arith.constant 256 : i32
    %mul3A_2 = arith.muli %add3A, %mul3A_1 : i32
    %mul3A_3 = arith.constant 2 : i32
    %mul3A_4 = arith.muli %add3A, %mul3A_3 : i32
    %run_scoped3A = arith.constant 0 : i32
    "tpu.region"() ({
      %run_scoped3A_254 = tpu.sem_alloc : memref<!tpu.dma_semaphore, #tpu.memory_space<semaphore_mem>>
      %dma_start3A_255 = arith.constant 0 : i32
      %dma_start3A_256 = arith.constant 0 : i32
      %dma_start3A_257 = tpu.memref_slice %arg8[%run_scoped3A, %dma_start3A_255, %dma_start3A_256] : memref<2x2x128xi32, #tpu.memory_space<vmem>> -> memref<1x2x128xi32, #tpu.memory_space<vmem>>
      %dma_start3A_258 = tpu.memref_squeeze %dma_start3A_257 : memref<1x2x128xi32, #tpu.memory_space<vmem>> -> memref<2x128xi32, #tpu.memory_space<vmem>>
      %dma_start3A_259 = arith.constant 0 : i32
      %dma_start3A_260 = tpu.memref_slice %arg4[%mul3A_4, %dma_start3A_259] : memref<64x128xi32, #tpu.memory_space<hbm>> -> memref<2x128xi32, #tpu.memory_space<hbm>>
      %dma_start3A_261 = arith.constant 0 : i32
      %dma_start3A_262 = arith.constant 0 : i32
      %dma_start3A_263 = tpu.memref_slice %arg8[%run_scoped3A, %dma_start3A_261, %dma_start3A_262] : memref<2x2x128xi32, #tpu.memory_space<vmem>> -> memref<1x2x128xi32, #tpu.memory_space<vmem>>
      %dma_start3A_264 = tpu.memref_squeeze %dma_start3A_263 : memref<1x2x128xi32, #tpu.memory_space<vmem>> -> memref<2x128xi32, #tpu.memory_space<vmem>>
      %dma_start3A_265 = arith.constant 0 : i32
      %dma_start3A_266 = tpu.memref_slice %arg4[%mul3A_4, %dma_start3A_265] : memref<64x128xi32, #tpu.memory_space<hbm>> -> memref<2x128xi32, #tpu.memory_space<hbm>>
      tpu.enqueue_dma source(%dma_start3A_266 : memref<2x128xi32, #tpu.memory_space<hbm>>) target(%dma_start3A_264 : memref<2x128xi32, #tpu.memory_space<vmem>>) target_semaphore(%run_scoped3A_254 : memref<!tpu.dma_semaphore, #tpu.memory_space<semaphore_mem>>)
      %dma_wait3A_267 = arith.constant 0 : i32
      %dma_wait3A_268 = arith.constant 0 : i32
      %dma_wait3A_269 = tpu.memref_slice %arg8[%run_scoped3A, %dma_wait3A_267, %dma_wait3A_268] : memref<2x2x128xi32, #tpu.memory_space<vmem>> -> memref<1x2x128xi32, #tpu.memory_space<vmem>>
      %dma_wait3A_270 = tpu.memref_squeeze %dma_wait3A_269 : memref<1x2x128xi32, #tpu.memory_space<vmem>> -> memref<2x128xi32, #tpu.memory_space<vmem>>
      %dma_wait3A_271 = arith.constant 0 : i32
      %dma_wait3A_272 = tpu.memref_slice %arg4[%mul3A_4, %dma_wait3A_271] : memref<64x128xi32, #tpu.memory_space<hbm>> -> memref<2x128xi32, #tpu.memory_space<hbm>>
      %dma_wait3A_273 = arith.constant 0 : i32
      %dma_wait3A_274 = arith.constant 0 : i32
      %dma_wait3A_275 = tpu.memref_slice %arg8[%run_scoped3A, %dma_wait3A_273, %dma_wait3A_274] : memref<2x2x128xi32, #tpu.memory_space<vmem>> -> memref<1x2x128xi32, #tpu.memory_space<vmem>>
      %dma_wait3A_276 = tpu.memref_squeeze %dma_wait3A_275 : memref<1x2x128xi32, #tpu.memory_space<vmem>> -> memref<2x128xi32, #tpu.memory_space<vmem>>
      %dma_wait3A_277 = arith.constant 0 : i32
      %dma_wait3A_278 = tpu.memref_slice %arg4[%mul3A_4, %dma_wait3A_277] : memref<64x128xi32, #tpu.memory_space<hbm>> -> memref<2x128xi32, #tpu.memory_space<hbm>>
      tpu.wait_dma2 semaphore(%run_scoped3A_254 : memref<!tpu.dma_semaphore, #tpu.memory_space<semaphore_mem>>) src(%dma_wait3A_278 : memref<2x128xi32, #tpu.memory_space<hbm>>) dst(%dma_wait3A_276 : memref<2x128xi32, #tpu.memory_space<vmem>>)
      tpu.yield
    }) : () -> ()
    %mul3A_5 = arith.constant 2 : i32
    %mul3A_6 = arith.muli %add3A, %mul3A_5 : i32
    %run_scoped3A_7 = arith.constant 1 : i32
    "tpu.region"() ({
      %run_scoped3A_254 = tpu.sem_alloc : memref<!tpu.dma_semaphore, #tpu.memory_space<semaphore_mem>>
      %dma_start3A_255 = arith.constant 0 : i32
      %dma_start3A_256 = arith.constant 0 : i32
      %dma_start3A_257 = tpu.memref_slice %arg8[%run_scoped3A_7, %dma_start3A_255, %dma_start3A_256] : memref<2x2x128xi32, #tpu.memory_space<vmem>> -> memref<1x2x128xi32, #tpu.memory_space<vmem>>
      %dma_start3A_258 = tpu.memref_squeeze %dma_start3A_257 : memref<1x2x128xi32, #tpu.memory_space<vmem>> -> memref<2x128xi32, #tpu.memory_space<vmem>>
      %dma_start3A_259 = arith.constant 0 : i32
      %dma_start3A_260 = tpu.memref_slice %arg5[%mul3A_6, %dma_start3A_259] : memref<64x128xi32, #tpu.memory_space<hbm>> -> memref<2x128xi32, #tpu.memory_space<hbm>>
      %dma_start3A_261 = arith.constant 0 : i32
      %dma_start3A_262 = arith.constant 0 : i32
      %dma_start3A_263 = tpu.memref_slice %arg8[%run_scoped3A_7, %dma_start3A_261, %dma_start3A_262] : memref<2x2x128xi32, #tpu.memory_space<vmem>> -> memref<1x2x128xi32, #tpu.memory_space<vmem>>
      %dma_start3A_264 = tpu.memref_squeeze %dma_start3A_263 : memref<1x2x128xi32, #tpu.memory_space<vmem>> -> memref<2x128xi32, #tpu.memory_space<vmem>>
      %dma_start3A_265 = arith.constant 0 : i32
      %dma_start3A_266 = tpu.memref_slice %arg5[%mul3A_6, %dma_start3A_265] : memref<64x128xi32, #tpu.memory_space<hbm>> -> memref<2x128xi32, #tpu.memory_space<hbm>>
      tpu.enqueue_dma source(%dma_start3A_266 : memref<2x128xi32, #tpu.memory_space<hbm>>) target(%dma_start3A_264 : memref<2x128xi32, #tpu.memory_space<vmem>>) target_semaphore(%run_scoped3A_254 : memref<!tpu.dma_semaphore, #tpu.memory_space<semaphore_mem>>)
      %dma_wait3A_267 = arith.constant 0 : i32
      %dma_wait3A_268 = arith.constant 0 : i32
      %dma_wait3A_269 = tpu.memref_slice %arg8[%run_scoped3A_7, %dma_wait3A_267, %dma_wait3A_268] : memref<2x2x128xi32, #tpu.memory_space<vmem>> -> memref<1x2x128xi32, #tpu.memory_space<vmem>>
      %dma_wait3A_270 = tpu.memref_squeeze %dma_wait3A_269 : memref<1x2x128xi32, #tpu.memory_space<vmem>> -> memref<2x128xi32, #tpu.memory_space<vmem>>
      %dma_wait3A_271 = arith.constant 0 : i32
      %dma_wait3A_272 = tpu.memref_slice %arg5[%mul3A_6, %dma_wait3A_271] : memref<64x128xi32, #tpu.memory_space<hbm>> -> memref<2x128xi32, #tpu.memory_space<hbm>>
      %dma_wait3A_273 = arith.constant 0 : i32
      %dma_wait3A_274 = arith.constant 0 : i32
      %dma_wait3A_275 = tpu.memref_slice %arg8[%run_scoped3A_7, %dma_wait3A_273, %dma_wait3A_274] : memref<2x2x128xi32, #tpu.memory_space<vmem>> -> memref<1x2x128xi32, #tpu.memory_space<vmem>>
      %dma_wait3A_276 = tpu.memref_squeeze %dma_wait3A_275 : memref<1x2x128xi32, #tpu.memory_space<vmem>> -> memref<2x128xi32, #tpu.memory_space<vmem>>
      %dma_wait3A_277 = arith.constant 0 : i32
      %dma_wait3A_278 = tpu.memref_slice %arg5[%mul3A_6, %dma_wait3A_277] : memref<64x128xi32, #tpu.memory_space<hbm>> -> memref<2x128xi32, #tpu.memory_space<hbm>>
      tpu.wait_dma2 semaphore(%run_scoped3A_254 : memref<!tpu.dma_semaphore, #tpu.memory_space<semaphore_mem>>) src(%dma_wait3A_278 : memref<2x128xi32, #tpu.memory_space<hbm>>) dst(%dma_wait3A_276 : memref<2x128xi32, #tpu.memory_space<vmem>>)
      tpu.yield
    }) : () -> ()
    %dma_start3A = arith.constant 0 : i32
    %dma_start3A_8 = arith.constant 0 : i32
    %dma_start3A_9 = arith.constant 0 : i32
    %dma_start3A_10 = arith.constant 0 : i32
    %dma_start3A_11 = arith.constant 0 : i32
    %dma_start3A_12 = tpu.memref_slice %arg9[%dma_start3A_9, %dma_start3A_10, %dma_start3A_11] : memref<4x128x128xf32, #tpu.memory_space<vmem>> -> memref<1x128x128xf32, #tpu.memory_space<vmem>>
    %dma_start3A_13 = tpu.memref_squeeze %dma_start3A_12 : memref<1x128x128xf32, #tpu.memory_space<vmem>> -> memref<128x128xf32, #tpu.memory_space<vmem>>
    %dma_start3A_14 = arith.constant 0 : i32
    %dma_start3A_15 = arith.constant 0 : i32
    %dma_start3A_16 = tpu.memref_slice %arg8[%dma_start3A, %dma_start3A_14, %dma_start3A_15] : memref<2x2x128xi32, #tpu.memory_space<vmem>> -> memref<1x2x128xi32, #tpu.memory_space<vmem>>
    %dma_start3A_17 = tpu.memref_squeeze %dma_start3A_16 : memref<1x2x128xi32, #tpu.memory_space<vmem>> -> memref<2x128xi32, #tpu.memory_space<vmem>>
    %dma_start3A_18 = arith.constant 0 : i32
    %dma_start3A_19 = tpu.memref_slice %dma_start3A_17[%dma_start3A_8, %dma_start3A_18] : memref<2x128xi32, #tpu.memory_space<vmem>> -> memref<1x128xi32, #tpu.memory_space<vmem>>
    %dma_start3A_20 = tpu.memref_squeeze %dma_start3A_19 : memref<1x128xi32, #tpu.memory_space<vmem>> -> memref<128xi32, #tpu.memory_space<vmem>>
    %dma_start3A_21 = arith.constant 0 : i32
    %dma_start3A_22 = arith.constant 0 : i32
    %dma_start3A_23 = tpu.memref_slice %arg2[%dma_start3A_21, %dma_start3A_22] : memref<1000000x128xf32, #tpu.memory_space<hbm>> -> memref<1000000x128xf32, #tpu.memory_space<hbm>>
    tpu.enqueue_indirect_dma source(%dma_start3A_23 : memref<1000000x128xf32, #tpu.memory_space<hbm>>) target(%dma_start3A_13 : memref<128x128xf32, #tpu.memory_space<vmem>>) offsets(%dma_start3A_20 : memref<128xi32, #tpu.memory_space<vmem>>) semaphore(%arg10 : memref<!tpu.dma_semaphore, #tpu.memory_space<semaphore_mem>>)
    %dma_start3A_24 = arith.constant 0 : i32
    %dma_start3A_25 = arith.constant 1 : i32
    %dma_start3A_26 = arith.constant 1 : i32
    %dma_start3A_27 = arith.constant 0 : i32
    %dma_start3A_28 = arith.constant 0 : i32
    %dma_start3A_29 = tpu.memref_slice %arg9[%dma_start3A_26, %dma_start3A_27, %dma_start3A_28] : memref<4x128x128xf32, #tpu.memory_space<vmem>> -> memref<1x128x128xf32, #tpu.memory_space<vmem>>
    %dma_start3A_30 = tpu.memref_squeeze %dma_start3A_29 : memref<1x128x128xf32, #tpu.memory_space<vmem>> -> memref<128x128xf32, #tpu.memory_space<vmem>>
    %dma_start3A_31 = arith.constant 0 : i32
    %dma_start3A_32 = arith.constant 0 : i32
    %dma_start3A_33 = tpu.memref_slice %arg8[%dma_start3A_24, %dma_start3A_31, %dma_start3A_32] : memref<2x2x128xi32, #tpu.memory_space<vmem>> -> memref<1x2x128xi32, #tpu.memory_space<vmem>>
    %dma_start3A_34 = tpu.memref_squeeze %dma_start3A_33 : memref<1x2x128xi32, #tpu.memory_space<vmem>> -> memref<2x128xi32, #tpu.memory_space<vmem>>
    %dma_start3A_35 = arith.constant 0 : i32
    %dma_start3A_36 = tpu.memref_slice %dma_start3A_34[%dma_start3A_25, %dma_start3A_35] : memref<2x128xi32, #tpu.memory_space<vmem>> -> memref<1x128xi32, #tpu.memory_space<vmem>>
    %dma_start3A_37 = tpu.memref_squeeze %dma_start3A_36 : memref<1x128xi32, #tpu.memory_space<vmem>> -> memref<128xi32, #tpu.memory_space<vmem>>
    %dma_start3A_38 = arith.constant 0 : i32
    %dma_start3A_39 = arith.constant 0 : i32
    %dma_start3A_40 = tpu.memref_slice %arg2[%dma_start3A_38, %dma_start3A_39] : memref<1000000x128xf32, #tpu.memory_space<hbm>> -> memref<1000000x128xf32, #tpu.memory_space<hbm>>
    tpu.enqueue_indirect_dma source(%dma_start3A_40 : memref<1000000x128xf32, #tpu.memory_space<hbm>>) target(%dma_start3A_30 : memref<128x128xf32, #tpu.memory_space<vmem>>) offsets(%dma_start3A_37 : memref<128xi32, #tpu.memory_space<vmem>>) semaphore(%arg10 : memref<!tpu.dma_semaphore, #tpu.memory_space<semaphore_mem>>)
    %dma_start3A_41 = arith.constant 1 : i32
    %dma_start3A_42 = arith.constant 0 : i32
    %dma_start3A_43 = arith.constant 2 : i32
    %dma_start3A_44 = arith.constant 0 : i32
    %dma_start3A_45 = arith.constant 0 : i32
    %dma_start3A_46 = tpu.memref_slice %arg9[%dma_start3A_43, %dma_start3A_44, %dma_start3A_45] : memref<4x128x128xf32, #tpu.memory_space<vmem>> -> memref<1x128x128xf32, #tpu.memory_space<vmem>>
    %dma_start3A_47 = tpu.memref_squeeze %dma_start3A_46 : memref<1x128x128xf32, #tpu.memory_space<vmem>> -> memref<128x128xf32, #tpu.memory_space<vmem>>
    %dma_start3A_48 = arith.constant 0 : i32
    %dma_start3A_49 = arith.constant 0 : i32
    %dma_start3A_50 = tpu.memref_slice %arg8[%dma_start3A_41, %dma_start3A_48, %dma_start3A_49] : memref<2x2x128xi32, #tpu.memory_space<vmem>> -> memref<1x2x128xi32, #tpu.memory_space<vmem>>
    %dma_start3A_51 = tpu.memref_squeeze %dma_start3A_50 : memref<1x2x128xi32, #tpu.memory_space<vmem>> -> memref<2x128xi32, #tpu.memory_space<vmem>>
    %dma_start3A_52 = arith.constant 0 : i32
    %dma_start3A_53 = tpu.memref_slice %dma_start3A_51[%dma_start3A_42, %dma_start3A_52] : memref<2x128xi32, #tpu.memory_space<vmem>> -> memref<1x128xi32, #tpu.memory_space<vmem>>
    %dma_start3A_54 = tpu.memref_squeeze %dma_start3A_53 : memref<1x128xi32, #tpu.memory_space<vmem>> -> memref<128xi32, #tpu.memory_space<vmem>>
    %dma_start3A_55 = arith.constant 0 : i32
    %dma_start3A_56 = arith.constant 0 : i32
    %dma_start3A_57 = tpu.memref_slice %arg3[%dma_start3A_55, %dma_start3A_56] : memref<100000x128xf32, #tpu.memory_space<hbm>> -> memref<100000x128xf32, #tpu.memory_space<hbm>>
    tpu.enqueue_indirect_dma source(%dma_start3A_57 : memref<100000x128xf32, #tpu.memory_space<hbm>>) target(%dma_start3A_47 : memref<128x128xf32, #tpu.memory_space<vmem>>) offsets(%dma_start3A_54 : memref<128xi32, #tpu.memory_space<vmem>>) semaphore(%arg10 : memref<!tpu.dma_semaphore, #tpu.memory_space<semaphore_mem>>)
    %dma_start3A_58 = arith.constant 1 : i32
    %dma_start3A_59 = arith.constant 1 : i32
    %dma_start3A_60 = arith.constant 3 : i32
    %dma_start3A_61 = arith.constant 0 : i32
    %dma_start3A_62 = arith.constant 0 : i32
    %dma_start3A_63 = tpu.memref_slice %arg9[%dma_start3A_60, %dma_start3A_61, %dma_start3A_62] : memref<4x128x128xf32, #tpu.memory_space<vmem>> -> memref<1x128x128xf32, #tpu.memory_space<vmem>>
    %dma_start3A_64 = tpu.memref_squeeze %dma_start3A_63 : memref<1x128x128xf32, #tpu.memory_space<vmem>> -> memref<128x128xf32, #tpu.memory_space<vmem>>
    %dma_start3A_65 = arith.constant 0 : i32
    %dma_start3A_66 = arith.constant 0 : i32
    %dma_start3A_67 = tpu.memref_slice %arg8[%dma_start3A_58, %dma_start3A_65, %dma_start3A_66] : memref<2x2x128xi32, #tpu.memory_space<vmem>> -> memref<1x2x128xi32, #tpu.memory_space<vmem>>
    %dma_start3A_68 = tpu.memref_squeeze %dma_start3A_67 : memref<1x2x128xi32, #tpu.memory_space<vmem>> -> memref<2x128xi32, #tpu.memory_space<vmem>>
    %dma_start3A_69 = arith.constant 0 : i32
    %dma_start3A_70 = tpu.memref_slice %dma_start3A_68[%dma_start3A_59, %dma_start3A_69] : memref<2x128xi32, #tpu.memory_space<vmem>> -> memref<1x128xi32, #tpu.memory_space<vmem>>
    %dma_start3A_71 = tpu.memref_squeeze %dma_start3A_70 : memref<1x128xi32, #tpu.memory_space<vmem>> -> memref<128xi32, #tpu.memory_space<vmem>>
    %dma_start3A_72 = arith.constant 0 : i32
    %dma_start3A_73 = arith.constant 0 : i32
    %dma_start3A_74 = tpu.memref_slice %arg3[%dma_start3A_72, %dma_start3A_73] : memref<100000x128xf32, #tpu.memory_space<hbm>> -> memref<100000x128xf32, #tpu.memory_space<hbm>>
    tpu.enqueue_indirect_dma source(%dma_start3A_74 : memref<100000x128xf32, #tpu.memory_space<hbm>>) target(%dma_start3A_64 : memref<128x128xf32, #tpu.memory_space<vmem>>) offsets(%dma_start3A_71 : memref<128xi32, #tpu.memory_space<vmem>>) semaphore(%arg10 : memref<!tpu.dma_semaphore, #tpu.memory_space<semaphore_mem>>)
    %dma_wait3A = arith.constant 0 : i32
    %dma_wait3A_75 = arith.constant 0 : i32
    %dma_wait3A_76 = arith.constant 0 : i32
    %dma_wait3A_77 = arith.constant 0 : i32
    %dma_wait3A_78 = arith.constant 0 : i32
    %dma_wait3A_79 = tpu.memref_slice %arg9[%dma_wait3A_76, %dma_wait3A_77, %dma_wait3A_78] : memref<4x128x128xf32, #tpu.memory_space<vmem>> -> memref<1x128x128xf32, #tpu.memory_space<vmem>>
    %dma_wait3A_80 = tpu.memref_squeeze %dma_wait3A_79 : memref<1x128x128xf32, #tpu.memory_space<vmem>> -> memref<128x128xf32, #tpu.memory_space<vmem>>
    %dma_wait3A_81 = arith.constant 0 : i32
    %dma_wait3A_82 = arith.constant 0 : i32
    %dma_wait3A_83 = tpu.memref_slice %arg8[%dma_wait3A, %dma_wait3A_81, %dma_wait3A_82] : memref<2x2x128xi32, #tpu.memory_space<vmem>> -> memref<1x2x128xi32, #tpu.memory_space<vmem>>
    %dma_wait3A_84 = tpu.memref_squeeze %dma_wait3A_83 : memref<1x2x128xi32, #tpu.memory_space<vmem>> -> memref<2x128xi32, #tpu.memory_space<vmem>>
    %dma_wait3A_85 = arith.constant 0 : i32
    %dma_wait3A_86 = tpu.memref_slice %dma_wait3A_84[%dma_wait3A_75, %dma_wait3A_85] : memref<2x128xi32, #tpu.memory_space<vmem>> -> memref<1x128xi32, #tpu.memory_space<vmem>>
    %dma_wait3A_87 = tpu.memref_squeeze %dma_wait3A_86 : memref<1x128xi32, #tpu.memory_space<vmem>> -> memref<128xi32, #tpu.memory_space<vmem>>
    %dma_wait3A_88 = arith.constant 0 : i32
    %dma_wait3A_89 = arith.constant 0 : i32
    %dma_wait3A_90 = tpu.memref_slice %arg2[%dma_wait3A_88, %dma_wait3A_89] : memref<1000000x128xf32, #tpu.memory_space<hbm>> -> memref<1000000x128xf32, #tpu.memory_space<hbm>>
    tpu.wait_indirect_dma semaphore(%arg10 : memref<!tpu.dma_semaphore, #tpu.memory_space<semaphore_mem>>) src(%dma_wait3A_90 : memref<1000000x128xf32, #tpu.memory_space<hbm>>) dst(%dma_wait3A_80 : memref<128x128xf32, #tpu.memory_space<vmem>>)
    %add3A_91 = arith.constant 0 : i32
    %add3A_92 = arith.addi %mul3A_2, %add3A_91 : i32
    %dma_start3A_93 = arith.constant 0 : i32
    %dma_start3A_94 = arith.constant 0 : i32
    %dma_start3A_95 = arith.constant 0 : i32
    %dma_start3A_96 = tpu.memref_slice %arg9[%dma_start3A_93, %dma_start3A_94, %dma_start3A_95] : memref<4x128x128xf32, #tpu.memory_space<vmem>> -> memref<1x128x128xf32, #tpu.memory_space<vmem>>
    %dma_start3A_97 = tpu.memref_squeeze %dma_start3A_96 : memref<1x128x128xf32, #tpu.memory_space<vmem>> -> memref<128x128xf32, #tpu.memory_space<vmem>>
    %dma_start3A_98 = arith.constant 0 : i32
    %dma_start3A_99 = tpu.memref_slice %arg6[%add3A_92, %dma_start3A_98] : memref<8192x128xf32, #tpu.memory_space<hbm>> -> memref<128x128xf32, #tpu.memory_space<hbm>>
    %dma_start3A_100 = arith.constant 0 : i32
    %dma_start3A_101 = tpu.memref_slice %arg6[%add3A_92, %dma_start3A_100] : memref<8192x128xf32, #tpu.memory_space<hbm>> -> memref<128x128xf32, #tpu.memory_space<hbm>>
    %dma_start3A_102 = arith.constant 0 : i32
    %dma_start3A_103 = arith.constant 0 : i32
    %dma_start3A_104 = tpu.memref_slice %arg9[%dma_start3A_93, %dma_start3A_102, %dma_start3A_103] : memref<4x128x128xf32, #tpu.memory_space<vmem>> -> memref<1x128x128xf32, #tpu.memory_space<vmem>>
    %dma_start3A_105 = tpu.memref_squeeze %dma_start3A_104 : memref<1x128x128xf32, #tpu.memory_space<vmem>> -> memref<128x128xf32, #tpu.memory_space<vmem>>
    tpu.enqueue_dma source(%dma_start3A_105 : memref<128x128xf32, #tpu.memory_space<vmem>>) target(%dma_start3A_101 : memref<128x128xf32, #tpu.memory_space<hbm>>) target_semaphore(%arg11 : memref<!tpu.dma_semaphore, #tpu.memory_space<semaphore_mem>>)
    %dma_wait3A_106 = arith.constant 0 : i32
    %dma_wait3A_107 = arith.constant 1 : i32
    %dma_wait3A_108 = arith.constant 1 : i32
    %dma_wait3A_109 = arith.constant 0 : i32
    %dma_wait3A_110 = arith.constant 0 : i32
    %dma_wait3A_111 = tpu.memref_slice %arg9[%dma_wait3A_108, %dma_wait3A_109, %dma_wait3A_110] : memref<4x128x128xf32, #tpu.memory_space<vmem>> -> memref<1x128x128xf32, #tpu.memory_space<vmem>>
    %dma_wait3A_112 = tpu.memref_squeeze %dma_wait3A_111 : memref<1x128x128xf32, #tpu.memory_space<vmem>> -> memref<128x128xf32, #tpu.memory_space<vmem>>
    %dma_wait3A_113 = arith.constant 0 : i32
    %dma_wait3A_114 = arith.constant 0 : i32
    %dma_wait3A_115 = tpu.memref_slice %arg8[%dma_wait3A_106, %dma_wait3A_113, %dma_wait3A_114] : memref<2x2x128xi32, #tpu.memory_space<vmem>> -> memref<1x2x128xi32, #tpu.memory_space<vmem>>
    %dma_wait3A_116 = tpu.memref_squeeze %dma_wait3A_115 : memref<1x2x128xi32, #tpu.memory_space<vmem>> -> memref<2x128xi32, #tpu.memory_space<vmem>>
    %dma_wait3A_117 = arith.constant 0 : i32
    %dma_wait3A_118 = tpu.memref_slice %dma_wait3A_116[%dma_wait3A_107, %dma_wait3A_117] : memref<2x128xi32, #tpu.memory_space<vmem>> -> memref<1x128xi32, #tpu.memory_space<vmem>>
    %dma_wait3A_119 = tpu.memref_squeeze %dma_wait3A_118 : memref<1x128xi32, #tpu.memory_space<vmem>> -> memref<128xi32, #tpu.memory_space<vmem>>
    %dma_wait3A_120 = arith.constant 0 : i32
    %dma_wait3A_121 = arith.constant 0 : i32
    %dma_wait3A_122 = tpu.memref_slice %arg2[%dma_wait3A_120, %dma_wait3A_121] : memref<1000000x128xf32, #tpu.memory_space<hbm>> -> memref<1000000x128xf32, #tpu.memory_space<hbm>>
    tpu.wait_indirect_dma semaphore(%arg10 : memref<!tpu.dma_semaphore, #tpu.memory_space<semaphore_mem>>) src(%dma_wait3A_122 : memref<1000000x128xf32, #tpu.memory_space<hbm>>) dst(%dma_wait3A_112 : memref<128x128xf32, #tpu.memory_space<vmem>>)
    %add3A_123 = arith.constant 128 : i32
    %add3A_124 = arith.addi %mul3A_2, %add3A_123 : i32
    %dma_start3A_125 = arith.constant 1 : i32
    %dma_start3A_126 = arith.constant 0 : i32
    %dma_start3A_127 = arith.constant 0 : i32
    %dma_start3A_128 = tpu.memref_slice %arg9[%dma_start3A_125, %dma_start3A_126, %dma_start3A_127] : memref<4x128x128xf32, #tpu.memory_space<vmem>> -> memref<1x128x128xf32, #tpu.memory_space<vmem>>
    %dma_start3A_129 = tpu.memref_squeeze %dma_start3A_128 : memref<1x128x128xf32, #tpu.memory_space<vmem>> -> memref<128x128xf32, #tpu.memory_space<vmem>>
    %dma_start3A_130 = arith.constant 0 : i32
    %dma_start3A_131 = tpu.memref_slice %arg6[%add3A_124, %dma_start3A_130] : memref<8192x128xf32, #tpu.memory_space<hbm>> -> memref<128x128xf32, #tpu.memory_space<hbm>>
    %dma_start3A_132 = arith.constant 0 : i32
    %dma_start3A_133 = tpu.memref_slice %arg6[%add3A_124, %dma_start3A_132] : memref<8192x128xf32, #tpu.memory_space<hbm>> -> memref<128x128xf32, #tpu.memory_space<hbm>>
    %dma_start3A_134 = arith.constant 0 : i32
    %dma_start3A_135 = arith.constant 0 : i32
    %dma_start3A_136 = tpu.memref_slice %arg9[%dma_start3A_125, %dma_start3A_134, %dma_start3A_135] : memref<4x128x128xf32, #tpu.memory_space<vmem>> -> memref<1x128x128xf32, #tpu.memory_space<vmem>>
    %dma_start3A_137 = tpu.memref_squeeze %dma_start3A_136 : memref<1x128x128xf32, #tpu.memory_space<vmem>> -> memref<128x128xf32, #tpu.memory_space<vmem>>
    tpu.enqueue_dma source(%dma_start3A_137 : memref<128x128xf32, #tpu.memory_space<vmem>>) target(%dma_start3A_133 : memref<128x128xf32, #tpu.memory_space<hbm>>) target_semaphore(%arg11 : memref<!tpu.dma_semaphore, #tpu.memory_space<semaphore_mem>>)
    %dma_wait3A_138 = arith.constant 1 : i32
    %dma_wait3A_139 = arith.constant 0 : i32
    %dma_wait3A_140 = arith.constant 2 : i32
    %dma_wait3A_141 = arith.constant 0 : i32
    %dma_wait3A_142 = arith.constant 0 : i32
    %dma_wait3A_143 = tpu.memref_slice %arg9[%dma_wait3A_140, %dma_wait3A_141, %dma_wait3A_142] : memref<4x128x128xf32, #tpu.memory_space<vmem>> -> memref<1x128x128xf32, #tpu.memory_space<vmem>>
    %dma_wait3A_144 = tpu.memref_squeeze %dma_wait3A_143 : memref<1x128x128xf32, #tpu.memory_space<vmem>> -> memref<128x128xf32, #tpu.memory_space<vmem>>
    %dma_wait3A_145 = arith.constant 0 : i32
    %dma_wait3A_146 = arith.constant 0 : i32
    %dma_wait3A_147 = tpu.memref_slice %arg8[%dma_wait3A_138, %dma_wait3A_145, %dma_wait3A_146] : memref<2x2x128xi32, #tpu.memory_space<vmem>> -> memref<1x2x128xi32, #tpu.memory_space<vmem>>
    %dma_wait3A_148 = tpu.memref_squeeze %dma_wait3A_147 : memref<1x2x128xi32, #tpu.memory_space<vmem>> -> memref<2x128xi32, #tpu.memory_space<vmem>>
    %dma_wait3A_149 = arith.constant 0 : i32
    %dma_wait3A_150 = tpu.memref_slice %dma_wait3A_148[%dma_wait3A_139, %dma_wait3A_149] : memref<2x128xi32, #tpu.memory_space<vmem>> -> memref<1x128xi32, #tpu.memory_space<vmem>>
    %dma_wait3A_151 = tpu.memref_squeeze %dma_wait3A_150 : memref<1x128xi32, #tpu.memory_space<vmem>> -> memref<128xi32, #tpu.memory_space<vmem>>
    %dma_wait3A_152 = arith.constant 0 : i32
    %dma_wait3A_153 = arith.constant 0 : i32
    %dma_wait3A_154 = tpu.memref_slice %arg3[%dma_wait3A_152, %dma_wait3A_153] : memref<100000x128xf32, #tpu.memory_space<hbm>> -> memref<100000x128xf32, #tpu.memory_space<hbm>>
    tpu.wait_indirect_dma semaphore(%arg10 : memref<!tpu.dma_semaphore, #tpu.memory_space<semaphore_mem>>) src(%dma_wait3A_154 : memref<100000x128xf32, #tpu.memory_space<hbm>>) dst(%dma_wait3A_144 : memref<128x128xf32, #tpu.memory_space<vmem>>)
    %add3A_155 = arith.constant 0 : i32
    %add3A_156 = arith.addi %mul3A_2, %add3A_155 : i32
    %dma_start3A_157 = arith.constant 2 : i32
    %dma_start3A_158 = arith.constant 0 : i32
    %dma_start3A_159 = arith.constant 0 : i32
    %dma_start3A_160 = tpu.memref_slice %arg9[%dma_start3A_157, %dma_start3A_158, %dma_start3A_159] : memref<4x128x128xf32, #tpu.memory_space<vmem>> -> memref<1x128x128xf32, #tpu.memory_space<vmem>>
    %dma_start3A_161 = tpu.memref_squeeze %dma_start3A_160 : memref<1x128x128xf32, #tpu.memory_space<vmem>> -> memref<128x128xf32, #tpu.memory_space<vmem>>
    %dma_start3A_162 = arith.constant 0 : i32
    %dma_start3A_163 = tpu.memref_slice %arg7[%add3A_156, %dma_start3A_162] : memref<8192x128xf32, #tpu.memory_space<hbm>> -> memref<128x128xf32, #tpu.memory_space<hbm>>
    %dma_start3A_164 = arith.constant 0 : i32
    %dma_start3A_165 = tpu.memref_slice %arg7[%add3A_156, %dma_start3A_164] : memref<8192x128xf32, #tpu.memory_space<hbm>> -> memref<128x128xf32, #tpu.memory_space<hbm>>
    %dma_start3A_166 = arith.constant 0 : i32
    %dma_start3A_167 = arith.constant 0 : i32
    %dma_start3A_168 = tpu.memref_slice %arg9[%dma_start3A_157, %dma_start3A_166, %dma_start3A_167] : memref<4x128x128xf32, #tpu.memory_space<vmem>> -> memref<1x128x128xf32, #tpu.memory_space<vmem>>
    %dma_start3A_169 = tpu.memref_squeeze %dma_start3A_168 : memref<1x128x128xf32, #tpu.memory_space<vmem>> -> memref<128x128xf32, #tpu.memory_space<vmem>>
    tpu.enqueue_dma source(%dma_start3A_169 : memref<128x128xf32, #tpu.memory_space<vmem>>) target(%dma_start3A_165 : memref<128x128xf32, #tpu.memory_space<hbm>>) target_semaphore(%arg11 : memref<!tpu.dma_semaphore, #tpu.memory_space<semaphore_mem>>)
    %dma_wait3A_170 = arith.constant 1 : i32
    %dma_wait3A_171 = arith.constant 1 : i32
    %dma_wait3A_172 = arith.constant 3 : i32
    %dma_wait3A_173 = arith.constant 0 : i32
    %dma_wait3A_174 = arith.constant 0 : i32
    %dma_wait3A_175 = tpu.memref_slice %arg9[%dma_wait3A_172, %dma_wait3A_173, %dma_wait3A_174] : memref<4x128x128xf32, #tpu.memory_space<vmem>> -> memref<1x128x128xf32, #tpu.memory_space<vmem>>
    %dma_wait3A_176 = tpu.memref_squeeze %dma_wait3A_175 : memref<1x128x128xf32, #tpu.memory_space<vmem>> -> memref<128x128xf32, #tpu.memory_space<vmem>>
    %dma_wait3A_177 = arith.constant 0 : i32
    %dma_wait3A_178 = arith.constant 0 : i32
    %dma_wait3A_179 = tpu.memref_slice %arg8[%dma_wait3A_170, %dma_wait3A_177, %dma_wait3A_178] : memref<2x2x128xi32, #tpu.memory_space<vmem>> -> memref<1x2x128xi32, #tpu.memory_space<vmem>>
    %dma_wait3A_180 = tpu.memref_squeeze %dma_wait3A_179 : memref<1x2x128xi32, #tpu.memory_space<vmem>> -> memref<2x128xi32, #tpu.memory_space<vmem>>
    %dma_wait3A_181 = arith.constant 0 : i32
    %dma_wait3A_182 = tpu.memref_slice %dma_wait3A_180[%dma_wait3A_171, %dma_wait3A_181] : memref<2x128xi32, #tpu.memory_space<vmem>> -> memref<1x128xi32, #tpu.memory_space<vmem>>
    %dma_wait3A_183 = tpu.memref_squeeze %dma_wait3A_182 : memref<1x128xi32, #tpu.memory_space<vmem>> -> memref<128xi32, #tpu.memory_space<vmem>>
    %dma_wait3A_184 = arith.constant 0 : i32
    %dma_wait3A_185 = arith.constant 0 : i32
    %dma_wait3A_186 = tpu.memref_slice %arg3[%dma_wait3A_184, %dma_wait3A_185] : memref<100000x128xf32, #tpu.memory_space<hbm>> -> memref<100000x128xf32, #tpu.memory_space<hbm>>
    tpu.wait_indirect_dma semaphore(%arg10 : memref<!tpu.dma_semaphore, #tpu.memory_space<semaphore_mem>>) src(%dma_wait3A_186 : memref<100000x128xf32, #tpu.memory_space<hbm>>) dst(%dma_wait3A_176 : memref<128x128xf32, #tpu.memory_space<vmem>>)
    %add3A_187 = arith.constant 128 : i32
    %add3A_188 = arith.addi %mul3A_2, %add3A_187 : i32
    %dma_start3A_189 = arith.constant 3 : i32
    %dma_start3A_190 = arith.constant 0 : i32
    %dma_start3A_191 = arith.constant 0 : i32
    %dma_start3A_192 = tpu.memref_slice %arg9[%dma_start3A_189, %dma_start3A_190, %dma_start3A_191] : memref<4x128x128xf32, #tpu.memory_space<vmem>> -> memref<1x128x128xf32, #tpu.memory_space<vmem>>
    %dma_start3A_193 = tpu.memref_squeeze %dma_start3A_192 : memref<1x128x128xf32, #tpu.memory_space<vmem>> -> memref<128x128xf32, #tpu.memory_space<vmem>>
    %dma_start3A_194 = arith.constant 0 : i32
    %dma_start3A_195 = tpu.memref_slice %arg7[%add3A_188, %dma_start3A_194] : memref<8192x128xf32, #tpu.memory_space<hbm>> -> memref<128x128xf32, #tpu.memory_space<hbm>>
    %dma_start3A_196 = arith.constant 0 : i32
    %dma_start3A_197 = tpu.memref_slice %arg7[%add3A_188, %dma_start3A_196] : memref<8192x128xf32, #tpu.memory_space<hbm>> -> memref<128x128xf32, #tpu.memory_space<hbm>>
    %dma_start3A_198 = arith.constant 0 : i32
    %dma_start3A_199 = arith.constant 0 : i32
    %dma_start3A_200 = tpu.memref_slice %arg9[%dma_start3A_189, %dma_start3A_198, %dma_start3A_199] : memref<4x128x128xf32, #tpu.memory_space<vmem>> -> memref<1x128x128xf32, #tpu.memory_space<vmem>>
    %dma_start3A_201 = tpu.memref_squeeze %dma_start3A_200 : memref<1x128x128xf32, #tpu.memory_space<vmem>> -> memref<128x128xf32, #tpu.memory_space<vmem>>
    tpu.enqueue_dma source(%dma_start3A_201 : memref<128x128xf32, #tpu.memory_space<vmem>>) target(%dma_start3A_197 : memref<128x128xf32, #tpu.memory_space<hbm>>) target_semaphore(%arg11 : memref<!tpu.dma_semaphore, #tpu.memory_space<semaphore_mem>>)
    %dma_wait3A_202 = arith.constant 0 : i32
    %dma_wait3A_203 = arith.constant 0 : i32
    %dma_wait3A_204 = arith.constant 0 : i32
    %dma_wait3A_205 = tpu.memref_slice %arg9[%dma_wait3A_202, %dma_wait3A_203, %dma_wait3A_204] : memref<4x128x128xf32, #tpu.memory_space<vmem>> -> memref<1x128x128xf32, #tpu.memory_space<vmem>>
    %dma_wait3A_206 = tpu.memref_squeeze %dma_wait3A_205 : memref<1x128x128xf32, #tpu.memory_space<vmem>> -> memref<128x128xf32, #tpu.memory_space<vmem>>
    %dma_wait3A_207 = arith.constant 0 : i32
    %dma_wait3A_208 = tpu.memref_slice %arg6[%add3A_92, %dma_wait3A_207] : memref<8192x128xf32, #tpu.memory_space<hbm>> -> memref<128x128xf32, #tpu.memory_space<hbm>>
    %dma_wait3A_209 = arith.constant 0 : i32
    %dma_wait3A_210 = tpu.memref_slice %arg6[%add3A_92, %dma_wait3A_209] : memref<8192x128xf32, #tpu.memory_space<hbm>> -> memref<128x128xf32, #tpu.memory_space<hbm>>
    %dma_wait3A_211 = arith.constant 0 : i32
    %dma_wait3A_212 = arith.constant 0 : i32
    %dma_wait3A_213 = tpu.memref_slice %arg9[%dma_wait3A_202, %dma_wait3A_211, %dma_wait3A_212] : memref<4x128x128xf32, #tpu.memory_space<vmem>> -> memref<1x128x128xf32, #tpu.memory_space<vmem>>
    %dma_wait3A_214 = tpu.memref_squeeze %dma_wait3A_213 : memref<1x128x128xf32, #tpu.memory_space<vmem>> -> memref<128x128xf32, #tpu.memory_space<vmem>>
    tpu.wait_dma2 semaphore(%arg11 : memref<!tpu.dma_semaphore, #tpu.memory_space<semaphore_mem>>) src(%dma_wait3A_214 : memref<128x128xf32, #tpu.memory_space<vmem>>) dst(%dma_wait3A_210 : memref<128x128xf32, #tpu.memory_space<hbm>>)
    %dma_wait3A_215 = arith.constant 1 : i32
    %dma_wait3A_216 = arith.constant 0 : i32
    %dma_wait3A_217 = arith.constant 0 : i32
    %dma_wait3A_218 = tpu.memref_slice %arg9[%dma_wait3A_215, %dma_wait3A_216, %dma_wait3A_217] : memref<4x128x128xf32, #tpu.memory_space<vmem>> -> memref<1x128x128xf32, #tpu.memory_space<vmem>>
    %dma_wait3A_219 = tpu.memref_squeeze %dma_wait3A_218 : memref<1x128x128xf32, #tpu.memory_space<vmem>> -> memref<128x128xf32, #tpu.memory_space<vmem>>
    %dma_wait3A_220 = arith.constant 0 : i32
    %dma_wait3A_221 = tpu.memref_slice %arg6[%add3A_124, %dma_wait3A_220] : memref<8192x128xf32, #tpu.memory_space<hbm>> -> memref<128x128xf32, #tpu.memory_space<hbm>>
    %dma_wait3A_222 = arith.constant 0 : i32
    %dma_wait3A_223 = tpu.memref_slice %arg6[%add3A_124, %dma_wait3A_222] : memref<8192x128xf32, #tpu.memory_space<hbm>> -> memref<128x128xf32, #tpu.memory_space<hbm>>
    %dma_wait3A_224 = arith.constant 0 : i32
    %dma_wait3A_225 = arith.constant 0 : i32
    %dma_wait3A_226 = tpu.memref_slice %arg9[%dma_wait3A_215, %dma_wait3A_224, %dma_wait3A_225] : memref<4x128x128xf32, #tpu.memory_space<vmem>> -> memref<1x128x128xf32, #tpu.memory_space<vmem>>
    %dma_wait3A_227 = tpu.memref_squeeze %dma_wait3A_226 : memref<1x128x128xf32, #tpu.memory_space<vmem>> -> memref<128x128xf32, #tpu.memory_space<vmem>>
    tpu.wait_dma2 semaphore(%arg11 : memref<!tpu.dma_semaphore, #tpu.memory_space<semaphore_mem>>) src(%dma_wait3A_227 : memref<128x128xf32, #tpu.memory_space<vmem>>) dst(%dma_wait3A_223 : memref<128x128xf32, #tpu.memory_space<hbm>>)
    %dma_wait3A_228 = arith.constant 2 : i32
    %dma_wait3A_229 = arith.constant 0 : i32
    %dma_wait3A_230 = arith.constant 0 : i32
    %dma_wait3A_231 = tpu.memref_slice %arg9[%dma_wait3A_228, %dma_wait3A_229, %dma_wait3A_230] : memref<4x128x128xf32, #tpu.memory_space<vmem>> -> memref<1x128x128xf32, #tpu.memory_space<vmem>>
    %dma_wait3A_232 = tpu.memref_squeeze %dma_wait3A_231 : memref<1x128x128xf32, #tpu.memory_space<vmem>> -> memref<128x128xf32, #tpu.memory_space<vmem>>
    %dma_wait3A_233 = arith.constant 0 : i32
    %dma_wait3A_234 = tpu.memref_slice %arg7[%add3A_156, %dma_wait3A_233] : memref<8192x128xf32, #tpu.memory_space<hbm>> -> memref<128x128xf32, #tpu.memory_space<hbm>>
    %dma_wait3A_235 = arith.constant 0 : i32
    %dma_wait3A_236 = tpu.memref_slice %arg7[%add3A_156, %dma_wait3A_235] : memref<8192x128xf32, #tpu.memory_space<hbm>> -> memref<128x128xf32, #tpu.memory_space<hbm>>
    %dma_wait3A_237 = arith.constant 0 : i32
    %dma_wait3A_238 = arith.constant 0 : i32
    %dma_wait3A_239 = tpu.memref_slice %arg9[%dma_wait3A_228, %dma_wait3A_237, %dma_wait3A_238] : memref<4x128x128xf32, #tpu.memory_space<vmem>> -> memref<1x128x128xf32, #tpu.memory_space<vmem>>
    %dma_wait3A_240 = tpu.memref_squeeze %dma_wait3A_239 : memref<1x128x128xf32, #tpu.memory_space<vmem>> -> memref<128x128xf32, #tpu.memory_space<vmem>>
    tpu.wait_dma2 semaphore(%arg11 : memref<!tpu.dma_semaphore, #tpu.memory_space<semaphore_mem>>) src(%dma_wait3A_240 : memref<128x128xf32, #tpu.memory_space<vmem>>) dst(%dma_wait3A_236 : memref<128x128xf32, #tpu.memory_space<hbm>>)
    %dma_wait3A_241 = arith.constant 3 : i32
    %dma_wait3A_242 = arith.constant 0 : i32
    %dma_wait3A_243 = arith.constant 0 : i32
    %dma_wait3A_244 = tpu.memref_slice %arg9[%dma_wait3A_241, %dma_wait3A_242, %dma_wait3A_243] : memref<4x128x128xf32, #tpu.memory_space<vmem>> -> memref<1x128x128xf32, #tpu.memory_space<vmem>>
    %dma_wait3A_245 = tpu.memref_squeeze %dma_wait3A_244 : memref<1x128x128xf32, #tpu.memory_space<vmem>> -> memref<128x128xf32, #tpu.memory_space<vmem>>
    %dma_wait3A_246 = arith.constant 0 : i32
    %dma_wait3A_247 = tpu.memref_slice %arg7[%add3A_188, %dma_wait3A_246] : memref<8192x128xf32, #tpu.memory_space<hbm>> -> memref<128x128xf32, #tpu.memory_space<hbm>>
    %dma_wait3A_248 = arith.constant 0 : i32
    %dma_wait3A_249 = tpu.memref_slice %arg7[%add3A_188, %dma_wait3A_248] : memref<8192x128xf32, #tpu.memory_space<hbm>> -> memref<128x128xf32, #tpu.memory_space<hbm>>
    %dma_wait3A_250 = arith.constant 0 : i32
    %dma_wait3A_251 = arith.constant 0 : i32
    %dma_wait3A_252 = tpu.memref_slice %arg9[%dma_wait3A_241, %dma_wait3A_250, %dma_wait3A_251] : memref<4x128x128xf32, #tpu.memory_space<vmem>> -> memref<1x128x128xf32, #tpu.memory_space<vmem>>
    %dma_wait3A_253 = tpu.memref_squeeze %dma_wait3A_252 : memref<1x128x128xf32, #tpu.memory_space<vmem>> -> memref<128x128xf32, #tpu.memory_space<vmem>>
    tpu.wait_dma2 semaphore(%arg11 : memref<!tpu.dma_semaphore, #tpu.memory_space<semaphore_mem>>) src(%dma_wait3A_253 : memref<128x128xf32, #tpu.memory_space<vmem>>) dst(%dma_wait3A_249 : memref<128x128xf32, #tpu.memory_space<hbm>>)
    return
  }
}

module attributes {stable_mosaic.version = 14 : i64} {
  func.func @_tc_body(%arg0: i32, %arg1: memref<16384x128xf32, #tpu.memory_space<any>>, %arg2: memref<3x4096xf32, #tpu.memory_space<vmem>>, %arg3: memref<4096x128xf32, #tpu.memory_space<vmem>>, %arg4: memref<4096x128xf32, #tpu.memory_space<vmem>>, %arg5: memref<1x4096xi32, #tpu.memory_space<vmem>>, %arg6: memref<1024x128xf32, #tpu.memory_space<vmem>>, %arg7: memref<3x128xf32, #tpu.memory_space<vmem>>, %arg8: memref<128x128xf32, #tpu.memory_space<vmem>>, %arg9: memref<1x128xf32, #tpu.memory_space<vmem>>, %arg10: memref<512x128xf32, #tpu.memory_space<vmem>>, %arg11: memref<1x128xf32, #tpu.memory_space<vmem>>, %arg12: memref<4096x128xf32, #tpu.memory_space<vmem>>) attributes {dimension_semantics = [#tpu.dimension_semantics<arbitrary>], iteration_bounds = array<i64: 2>, scalar_prefetch = 0 : i64, scratch_operands = 0 : i64, tpu.core_type = #tpu.core_type<tc>, window_params = [{}, {transform_indices = @transform_1, window_bounds = array<i64: 3, 4096>}, {transform_indices = @transform_2, window_bounds = array<i64: 4096, 128>}, {transform_indices = @transform_3, window_bounds = array<i64: 4096, 128>}, {transform_indices = @transform_4, window_bounds = array<i64: 1, 4096>}, {pipeline_mode = #tpu.pipeline_mode<synchronous>, transform_indices = @transform_5, window_bounds = array<i64: 1024, 128>}, {pipeline_mode = #tpu.pipeline_mode<synchronous>, transform_indices = @transform_6, window_bounds = array<i64: 3, 128>}, {pipeline_mode = #tpu.pipeline_mode<synchronous>, transform_indices = @transform_7, window_bounds = array<i64: 128, 128>}, {pipeline_mode = #tpu.pipeline_mode<synchronous>, transform_indices = @transform_8, window_bounds = array<i64: 1, 128>}, {pipeline_mode = #tpu.pipeline_mode<synchronous>, transform_indices = @transform_9, window_bounds = array<i64: 512, 128>}, {pipeline_mode = #tpu.pipeline_mode<synchronous>, transform_indices = @transform_10, window_bounds = array<i64: 1, 128>}, {transform_indices = @transform_11, window_bounds = array<i64: 4096, 128>}]} {
    %get3A = arith.constant 0 : index
    %get3A_0 = arith.constant 0 : index
    %get3A_1 = vector.load %arg10[%get3A, %get3A_0] : memref<512x128xf32, #tpu.memory_space<vmem>>, vector<512x128xf32>
    %convert_element_type3A = arith.truncf %get3A_1 : vector<512x128xf32> to vector<512x128xbf16>
    %slice3A = vector.extract_strided_slice %convert_element_type3A {offsets = [384, 0], sizes = [128, 128], strides = [1, 1]} : vector<512x128xbf16> to vector<128x128xbf16>
    %get3A_2 = arith.constant 0 : index
    %get3A_3 = arith.constant 0 : index
    %get3A_4 = vector.load %arg7[%get3A_2, %get3A_3] : memref<3x128xf32, #tpu.memory_space<vmem>>, vector<3x128xf32>
    %convert_element_type3A_5 = arith.truncf %get3A_4 : vector<3x128xf32> to vector<3x128xbf16>
    %get3A_6 = arith.constant 0 : index
    %get3A_7 = arith.constant 0 : index
    %get3A_8 = vector.load %arg2[%get3A_6, %get3A_7] : memref<3x4096xf32, #tpu.memory_space<vmem>>, vector<3x4096xf32>
    %convert_element_type3A_9 = arith.truncf %get3A_8 : vector<3x4096xf32> to vector<3x4096xbf16>
    %dot_general3A = arith.constant dense<0.000000e+00> : vector<128x4096xf32>
    %dot_general3A_10 = tpu.matmul %convert_element_type3A_5, %convert_element_type3A_9, %dot_general3A {dimension_numbers = #tpu.dot_dimension_numbers<[0], [0], [1], [1], [0, 1, 1, 1], [], []>, transpose_lhs_hint = false} : vector<3x128xbf16>, vector<3x4096xbf16>, vector<128x4096xf32> -> vector<128x4096xf32>
    %max3A = arith.constant 0.000000e+00 : f32
    %max3A_11 = vector.broadcast %max3A : f32 to vector<128x4096xf32>
    %max3A_12 = arith.maximumf %dot_general3A_10, %max3A_11 : vector<128x4096xf32>
    %get3A_13 = arith.constant 0 : index
    %get3A_14 = arith.constant 0 : index
    %get3A_15 = vector.load %arg8[%get3A_13, %get3A_14] : memref<128x128xf32, #tpu.memory_space<vmem>>, vector<128x128xf32>
    %convert_element_type3A_16 = arith.truncf %get3A_15 : vector<128x128xf32> to vector<128x128xbf16>
    %dot_general3A_17 = arith.constant dense<0.000000e+00> : vector<128x128xf32>
    %dot_general3A_18 = tpu.matmul %convert_element_type3A_16, %slice3A, %dot_general3A_17 {dimension_numbers = #tpu.dot_dimension_numbers<[1], [0], [0], [1], [0, 0, 1, 1], [], []>, transpose_lhs_hint = false} : vector<128x128xbf16>, vector<128x128xbf16>, vector<128x128xf32> -> vector<128x128xf32>
    %convert_element_type3A_19 = arith.truncf %dot_general3A_18 : vector<128x128xf32> to vector<128x128xbf16>
    %get3A_20 = arith.constant 0 : index
    %get3A_21 = arith.constant 0 : index
    %get3A_22 = vector.load %arg9[%get3A_20, %get3A_21] : memref<1x128xf32, #tpu.memory_space<vmem>>, vector<1x128xf32>
    %convert_element_type3A_23 = arith.truncf %get3A_22 : vector<1x128xf32> to vector<1x128xbf16>
    %dot_general3A_24 = arith.constant dense<0.000000e+00> : vector<1x128xf32>
    %dot_general3A_25 = tpu.matmul %convert_element_type3A_23, %slice3A, %dot_general3A_24 {dimension_numbers = #tpu.dot_dimension_numbers<[1], [0], [0], [1], [0, 0, 1, 1], [], []>, transpose_lhs_hint = false} : vector<1x128xbf16>, vector<128x128xbf16>, vector<1x128xf32> -> vector<1x128xf32>
    %get3A_26 = arith.constant 0 : index
    %get3A_27 = arith.constant 0 : index
    %get3A_28 = vector.load %arg11[%get3A_26, %get3A_27] : memref<1x128xf32, #tpu.memory_space<vmem>>, vector<1x128xf32>
    %add3A = arith.addf %dot_general3A_25, %get3A_28 : vector<1x128xf32>
    %convert_element_type3A_29 = arith.truncf %max3A_12 : vector<128x4096xf32> to vector<128x4096xbf16>
    %dot_general3A_30 = arith.constant dense<0.000000e+00> : vector<4096x128xf32>
    %dot_general3A_31 = tpu.matmul %convert_element_type3A_29, %convert_element_type3A_19, %dot_general3A_30 {dimension_numbers = #tpu.dot_dimension_numbers<[0], [0], [1], [1], [0, 1, 1, 1], [], []>, transpose_lhs_hint = false} : vector<128x4096xbf16>, vector<128x128xbf16>, vector<4096x128xf32> -> vector<4096x128xf32>
    %get3A_32 = arith.constant 0 : index
    %get3A_33 = arith.constant 0 : index
    %get3A_34 = vector.load %arg6[%get3A_32, %get3A_33] : memref<1024x128xf32, #tpu.memory_space<vmem>>, vector<1024x128xf32>
    %convert_element_type3A_35 = arith.truncf %get3A_34 : vector<1024x128xf32> to vector<1024x128xbf16>
    %slice3A_36 = vector.extract_strided_slice %convert_element_type3A {offsets = [128, 0], sizes = [128, 128], strides = [1, 1]} : vector<512x128xbf16> to vector<128x128xbf16>
    %dot_general3A_37 = arith.constant dense<0.000000e+00> : vector<1024x128xf32>
    %dot_general3A_38 = tpu.matmul %convert_element_type3A_35, %slice3A_36, %dot_general3A_37 {dimension_numbers = #tpu.dot_dimension_numbers<[1], [0], [0], [1], [0, 0, 1, 1], [], []>, transpose_lhs_hint = false} : vector<1024x128xbf16>, vector<128x128xbf16>, vector<1024x128xf32> -> vector<1024x128xf32>
    %convert_element_type3A_39 = arith.truncf %dot_general3A_38 : vector<1024x128xf32> to vector<1024x128xbf16>
    %iota3A = tpu.iota {dimensions = array<i32: 0>} : vector<1024x4096xi32>
    %get3A_40 = arith.constant 0 : index
    %get3A_41 = arith.constant 0 : index
    %get3A_42 = vector.load %arg5[%get3A_40, %get3A_41] : memref<1x4096xi32, #tpu.memory_space<vmem>>, vector<1x4096xi32>
    %eq3A = vector.broadcast %get3A_42 : vector<1x4096xi32> to vector<1024x4096xi32>
    %eq3A_43 = arith.cmpi eq, %iota3A, %eq3A : vector<1024x4096xi32>
    %convert_element_type3A_44 = arith.extui %eq3A_43 : vector<1024x4096xi1> to vector<1024x4096xi32>
    %convert_element_type3A_45 = arith.sitofp %convert_element_type3A_44 : vector<1024x4096xi32> to vector<1024x4096xf32>
    %convert_element_type3A_46 = arith.truncf %convert_element_type3A_45 : vector<1024x4096xf32> to vector<1024x4096xbf16>
    %dot_general3A_47 = arith.constant dense<0.000000e+00> : vector<4096x128xf32>
    %dot_general3A_48 = tpu.matmul %convert_element_type3A_46, %convert_element_type3A_39, %dot_general3A_47 {dimension_numbers = #tpu.dot_dimension_numbers<[0], [0], [1], [1], [0, 1, 1, 1], [], []>, transpose_lhs_hint = false} : vector<1024x4096xbf16>, vector<1024x128xbf16>, vector<4096x128xf32> -> vector<4096x128xf32>
    %add3A_49 = arith.addf %dot_general3A_31, %dot_general3A_48 : vector<4096x128xf32>
    %get3A_50 = arith.constant 0 : index
    %get3A_51 = arith.constant 0 : index
    %get3A_52 = vector.load %arg3[%get3A_50, %get3A_51] : memref<4096x128xf32, #tpu.memory_space<vmem>>, vector<4096x128xf32>
    %convert_element_type3A_53 = arith.truncf %get3A_52 : vector<4096x128xf32> to vector<4096x128xbf16>
    %slice3A_54 = vector.extract_strided_slice %convert_element_type3A {offsets = [0, 0], sizes = [128, 128], strides = [1, 1]} : vector<512x128xbf16> to vector<128x128xbf16>
    %dot_general3A_55 = arith.constant dense<0.000000e+00> : vector<4096x128xf32>
    %dot_general3A_56 = tpu.matmul %convert_element_type3A_53, %slice3A_54, %dot_general3A_55 {dimension_numbers = #tpu.dot_dimension_numbers<[1], [0], [0], [1], [0, 0, 1, 1], [], []>, transpose_lhs_hint = false} : vector<4096x128xbf16>, vector<128x128xbf16>, vector<4096x128xf32> -> vector<4096x128xf32>
    %add3A_57 = arith.addf %add3A_49, %dot_general3A_56 : vector<4096x128xf32>
    %get3A_58 = arith.constant 0 : index
    %get3A_59 = arith.constant 0 : index
    %get3A_60 = vector.load %arg4[%get3A_58, %get3A_59] : memref<4096x128xf32, #tpu.memory_space<vmem>>, vector<4096x128xf32>
    %convert_element_type3A_61 = arith.truncf %get3A_60 : vector<4096x128xf32> to vector<4096x128xbf16>
    %slice3A_62 = vector.extract_strided_slice %convert_element_type3A {offsets = [256, 0], sizes = [128, 128], strides = [1, 1]} : vector<512x128xbf16> to vector<128x128xbf16>
    %dot_general3A_63 = arith.constant dense<0.000000e+00> : vector<4096x128xf32>
    %dot_general3A_64 = tpu.matmul %convert_element_type3A_61, %slice3A_62, %dot_general3A_63 {dimension_numbers = #tpu.dot_dimension_numbers<[1], [0], [0], [1], [0, 0, 1, 1], [], []>, transpose_lhs_hint = false} : vector<4096x128xbf16>, vector<128x128xbf16>, vector<4096x128xf32> -> vector<4096x128xf32>
    %add3A_65 = arith.addf %add3A_57, %dot_general3A_64 : vector<4096x128xf32>
    %add3A_66 = vector.broadcast %add3A : vector<1x128xf32> to vector<4096x128xf32>
    %add3A_67 = arith.addf %add3A_65, %add3A_66 : vector<4096x128xf32>
    %max3A_68 = arith.constant 0.000000e+00 : f32
    %max3A_69 = vector.broadcast %max3A_68 : f32 to vector<4096x128xf32>
    %max3A_70 = arith.maximumf %add3A_67, %max3A_69 : vector<4096x128xf32>
    %swap3A = arith.constant 0 : index
    %swap3A_71 = arith.constant 0 : index
    %swap3A_72 = vector.load %arg12[%swap3A, %swap3A_71] : memref<4096x128xf32, #tpu.memory_space<vmem>>, vector<4096x128xf32>
    tpu.vector_store %arg12[%swap3A, %swap3A_71], %max3A_70 {strides = array<i32>} : memref<4096x128xf32, #tpu.memory_space<vmem>>, vector<4096x128xf32>,
    return
  }
  func.func @transform_1(%arg0: i32) -> (i32, i32) {
    %add3A = arith.constant 0 : i32
    %add3A_0 = arith.addi %arg0, %add3A : i32
    %c0_i32 = arith.constant 0 : i32
    %c0_i32_1 = arith.constant 0 : i32
    return %c0_i32, %add3A_0 : i32, i32
  }
  func.func @transform_2(%arg0: i32) -> (i32, i32) {
    %c0_i32 = arith.constant 0 : i32
    %c0_i32_0 = arith.constant 0 : i32
    return %arg0, %c0_i32 : i32, i32
  }
  func.func @transform_3(%arg0: i32) -> (i32, i32) {
    %c0_i32 = arith.constant 0 : i32
    %c0_i32_0 = arith.constant 0 : i32
    return %arg0, %c0_i32 : i32, i32
  }
  func.func @transform_4(%arg0: i32) -> (i32, i32) {
    %add3A = arith.constant 0 : i32
    %add3A_0 = arith.addi %arg0, %add3A : i32
    %c0_i32 = arith.constant 0 : i32
    %c0_i32_1 = arith.constant 0 : i32
    return %c0_i32, %add3A_0 : i32, i32
  }
  func.func @transform_5(%arg0: i32) -> (i32, i32) {
    %c0_i32 = arith.constant 0 : i32
    %c0_i32_0 = arith.constant 0 : i32
    %c0_i32_1 = arith.constant 0 : i32
    return %c0_i32, %c0_i32_0 : i32, i32
  }
  func.func @transform_6(%arg0: i32) -> (i32, i32) {
    %c0_i32 = arith.constant 0 : i32
    %c0_i32_0 = arith.constant 0 : i32
    %c0_i32_1 = arith.constant 0 : i32
    return %c0_i32, %c0_i32_0 : i32, i32
  }
  func.func @transform_7(%arg0: i32) -> (i32, i32) {
    %c0_i32 = arith.constant 0 : i32
    %c0_i32_0 = arith.constant 0 : i32
    %c0_i32_1 = arith.constant 0 : i32
    return %c0_i32, %c0_i32_0 : i32, i32
  }
  func.func @transform_8(%arg0: i32) -> (i32, i32) {
    %c0_i32 = arith.constant 0 : i32
    %c0_i32_0 = arith.constant 0 : i32
    %c0_i32_1 = arith.constant 0 : i32
    return %c0_i32, %c0_i32_0 : i32, i32
  }
  func.func @transform_9(%arg0: i32) -> (i32, i32) {
    %c0_i32 = arith.constant 0 : i32
    %c0_i32_0 = arith.constant 0 : i32
    %c0_i32_1 = arith.constant 0 : i32
    return %c0_i32, %c0_i32_0 : i32, i32
  }
  func.func @transform_10(%arg0: i32) -> (i32, i32) {
    %c0_i32 = arith.constant 0 : i32
    %c0_i32_0 = arith.constant 0 : i32
    %c0_i32_1 = arith.constant 0 : i32
    return %c0_i32, %c0_i32_0 : i32, i32
  }
  func.func @transform_11(%arg0: i32) -> (i32, i32) {
    %add3A = arith.constant 0 : i32
    %add3A_0 = arith.addi %arg0, %add3A : i32
    %c0_i32 = arith.constant 0 : i32
    %c0_i32_1 = arith.constant 0 : i32
    return %add3A_0, %c0_i32 : i32, i32
  }
}

module attributes {stable_mosaic.version = 14 : i64} {
  func.func @_tc_body(%arg0: i32, %arg1: memref<16384x128xf32, #tpu.memory_space<any>>, %arg2: memref<3x4096xf32, #tpu.memory_space<vmem>>, %arg3: memref<4096x128xf32, #tpu.memory_space<vmem>>, %arg4: memref<4096x128xf32, #tpu.memory_space<vmem>>, %arg5: memref<1x4096xi32, #tpu.memory_space<vmem>>, %arg6: memref<1024x128xf32, #tpu.memory_space<vmem>>, %arg7: memref<3x128xf32, #tpu.memory_space<vmem>>, %arg8: memref<128x128xf32, #tpu.memory_space<vmem>>, %arg9: memref<1x128xf32, #tpu.memory_space<vmem>>, %arg10: memref<512x128xf32, #tpu.memory_space<vmem>>, %arg11: memref<1x128xf32, #tpu.memory_space<vmem>>, %arg12: memref<4096x128xf32, #tpu.memory_space<vmem>>) attributes {dimension_semantics = [#tpu.dimension_semantics<arbitrary>], iteration_bounds = array<i64: 2>, scalar_prefetch = 0 : i64, scratch_operands = 0 : i64, tpu.core_type = #tpu.core_type<tc>, window_params = [{}, {transform_indices = @transform_1, window_bounds = array<i64: 3, 4096>}, {transform_indices = @transform_2, window_bounds = array<i64: 4096, 128>}, {transform_indices = @transform_3, window_bounds = array<i64: 4096, 128>}, {transform_indices = @transform_4, window_bounds = array<i64: 1, 4096>}, {pipeline_mode = #tpu.pipeline_mode<synchronous>, transform_indices = @transform_5, window_bounds = array<i64: 1024, 128>}, {pipeline_mode = #tpu.pipeline_mode<synchronous>, transform_indices = @transform_6, window_bounds = array<i64: 3, 128>}, {pipeline_mode = #tpu.pipeline_mode<synchronous>, transform_indices = @transform_7, window_bounds = array<i64: 128, 128>}, {pipeline_mode = #tpu.pipeline_mode<synchronous>, transform_indices = @transform_8, window_bounds = array<i64: 1, 128>}, {pipeline_mode = #tpu.pipeline_mode<synchronous>, transform_indices = @transform_9, window_bounds = array<i64: 512, 128>}, {pipeline_mode = #tpu.pipeline_mode<synchronous>, transform_indices = @transform_10, window_bounds = array<i64: 1, 128>}, {transform_indices = @transform_11, window_bounds = array<i64: 4096, 128>}]} {
    %get3A = arith.constant 0 : index
    %get3A_0 = arith.constant 0 : index
    %get3A_1 = vector.load %arg10[%get3A, %get3A_0] : memref<512x128xf32, #tpu.memory_space<vmem>>, vector<512x128xf32>
    %convert_element_type3A = arith.truncf %get3A_1 : vector<512x128xf32> to vector<512x128xbf16>
    %slice3A = vector.extract_strided_slice %convert_element_type3A {offsets = [384, 0], sizes = [128, 128], strides = [1, 1]} : vector<512x128xbf16> to vector<128x128xbf16>
    %get3A_2 = arith.constant 0 : index
    %get3A_3 = arith.constant 0 : index
    %get3A_4 = vector.load %arg7[%get3A_2, %get3A_3] : memref<3x128xf32, #tpu.memory_space<vmem>>, vector<3x128xf32>
    %convert_element_type3A_5 = arith.truncf %get3A_4 : vector<3x128xf32> to vector<3x128xbf16>
    %get3A_6 = arith.constant 0 : index
    %get3A_7 = arith.constant 0 : index
    %get3A_8 = vector.load %arg2[%get3A_6, %get3A_7] : memref<3x4096xf32, #tpu.memory_space<vmem>>, vector<3x4096xf32>
    %convert_element_type3A_9 = arith.truncf %get3A_8 : vector<3x4096xf32> to vector<3x4096xbf16>
    %dot_general3A = arith.constant dense<0.000000e+00> : vector<128x4096xf32>
    %dot_general3A_10 = tpu.matmul %convert_element_type3A_5, %convert_element_type3A_9, %dot_general3A {dimension_numbers = #tpu.dot_dimension_numbers<[0], [0], [1], [1], [0, 1, 1, 1], [], []>, transpose_lhs_hint = false} : vector<3x128xbf16>, vector<3x4096xbf16>, vector<128x4096xf32> -> vector<128x4096xf32>
    %max3A = arith.constant 0.000000e+00 : f32
    %max3A_11 = vector.broadcast %max3A : f32 to vector<128x4096xf32>
    %max3A_12 = arith.maximumf %dot_general3A_10, %max3A_11 : vector<128x4096xf32>
    %get3A_13 = arith.constant 0 : index
    %get3A_14 = arith.constant 0 : index
    %get3A_15 = vector.load %arg8[%get3A_13, %get3A_14] : memref<128x128xf32, #tpu.memory_space<vmem>>, vector<128x128xf32>
    %convert_element_type3A_16 = arith.truncf %get3A_15 : vector<128x128xf32> to vector<128x128xbf16>
    %dot_general3A_17 = arith.constant dense<0.000000e+00> : vector<128x128xf32>
    %dot_general3A_18 = tpu.matmul %convert_element_type3A_16, %slice3A, %dot_general3A_17 {dimension_numbers = #tpu.dot_dimension_numbers<[1], [0], [0], [1], [0, 0, 1, 1], [], []>, transpose_lhs_hint = false} : vector<128x128xbf16>, vector<128x128xbf16>, vector<128x128xf32> -> vector<128x128xf32>
    %convert_element_type3A_19 = arith.truncf %dot_general3A_18 : vector<128x128xf32> to vector<128x128xbf16>
    %get3A_20 = arith.constant 0 : index
    %get3A_21 = arith.constant 0 : index
    %get3A_22 = vector.load %arg9[%get3A_20, %get3A_21] : memref<1x128xf32, #tpu.memory_space<vmem>>, vector<1x128xf32>
    %convert_element_type3A_23 = arith.truncf %get3A_22 : vector<1x128xf32> to vector<1x128xbf16>
    %dot_general3A_24 = arith.constant dense<0.000000e+00> : vector<1x128xf32>
    %dot_general3A_25 = tpu.matmul %convert_element_type3A_23, %slice3A, %dot_general3A_24 {dimension_numbers = #tpu.dot_dimension_numbers<[1], [0], [0], [1], [0, 0, 1, 1], [], []>, transpose_lhs_hint = false} : vector<1x128xbf16>, vector<128x128xbf16>, vector<1x128xf32> -> vector<1x128xf32>
    %get3A_26 = arith.constant 0 : index
    %get3A_27 = arith.constant 0 : index
    %get3A_28 = vector.load %arg11[%get3A_26, %get3A_27] : memref<1x128xf32, #tpu.memory_space<vmem>>, vector<1x128xf32>
    %add3A = arith.addf %dot_general3A_25, %get3A_28 : vector<1x128xf32>
    %convert_element_type3A_29 = arith.truncf %max3A_12 : vector<128x4096xf32> to vector<128x4096xbf16>
    %dot_general3A_30 = arith.constant dense<0.000000e+00> : vector<4096x128xf32>
    %dot_general3A_31 = tpu.matmul %convert_element_type3A_29, %convert_element_type3A_19, %dot_general3A_30 {dimension_numbers = #tpu.dot_dimension_numbers<[0], [0], [1], [1], [0, 1, 1, 1], [], []>, transpose_lhs_hint = false} : vector<128x4096xbf16>, vector<128x128xbf16>, vector<4096x128xf32> -> vector<4096x128xf32>
    %get3A_32 = arith.constant 0 : index
    %get3A_33 = arith.constant 0 : index
    %get3A_34 = vector.load %arg6[%get3A_32, %get3A_33] : memref<1024x128xf32, #tpu.memory_space<vmem>>, vector<1024x128xf32>
    %convert_element_type3A_35 = arith.truncf %get3A_34 : vector<1024x128xf32> to vector<1024x128xbf16>
    %slice3A_36 = vector.extract_strided_slice %convert_element_type3A {offsets = [128, 0], sizes = [128, 128], strides = [1, 1]} : vector<512x128xbf16> to vector<128x128xbf16>
    %dot_general3A_37 = arith.constant dense<0.000000e+00> : vector<1024x128xf32>
    %dot_general3A_38 = tpu.matmul %convert_element_type3A_35, %slice3A_36, %dot_general3A_37 {dimension_numbers = #tpu.dot_dimension_numbers<[1], [0], [0], [1], [0, 0, 1, 1], [], []>, transpose_lhs_hint = false} : vector<1024x128xbf16>, vector<128x128xbf16>, vector<1024x128xf32> -> vector<1024x128xf32>
    %convert_element_type3A_39 = arith.truncf %dot_general3A_38 : vector<1024x128xf32> to vector<1024x128xbf16>
    %iota3A = tpu.iota {dimensions = array<i32: 0>} : vector<1024x4096xi32>
    %get3A_40 = arith.constant 0 : index
    %get3A_41 = arith.constant 0 : index
    %get3A_42 = vector.load %arg5[%get3A_40, %get3A_41] : memref<1x4096xi32, #tpu.memory_space<vmem>>, vector<1x4096xi32>
    %eq3A = vector.broadcast %get3A_42 : vector<1x4096xi32> to vector<1024x4096xi32>
    %eq3A_43 = arith.cmpi eq, %iota3A, %eq3A : vector<1024x4096xi32>
    %convert_element_type3A_44 = arith.extui %eq3A_43 : vector<1024x4096xi1> to vector<1024x4096xi32>
    %convert_element_type3A_45 = arith.sitofp %convert_element_type3A_44 : vector<1024x4096xi32> to vector<1024x4096xf32>
    %convert_element_type3A_46 = arith.truncf %convert_element_type3A_45 : vector<1024x4096xf32> to vector<1024x4096xbf16>
    %dot_general3A_47 = arith.constant dense<0.000000e+00> : vector<4096x128xf32>
    %dot_general3A_48 = tpu.matmul %convert_element_type3A_46, %convert_element_type3A_39, %dot_general3A_47 {dimension_numbers = #tpu.dot_dimension_numbers<[0], [0], [1], [1], [0, 1, 1, 1], [], []>, transpose_lhs_hint = false} : vector<1024x4096xbf16>, vector<1024x128xbf16>, vector<4096x128xf32> -> vector<4096x128xf32>
    %add3A_49 = arith.addf %dot_general3A_31, %dot_general3A_48 : vector<4096x128xf32>
    %get3A_50 = arith.constant 0 : index
    %get3A_51 = arith.constant 0 : index
    %get3A_52 = vector.load %arg3[%get3A_50, %get3A_51] : memref<4096x128xf32, #tpu.memory_space<vmem>>, vector<4096x128xf32>
    %convert_element_type3A_53 = arith.truncf %get3A_52 : vector<4096x128xf32> to vector<4096x128xbf16>
    %slice3A_54 = vector.extract_strided_slice %convert_element_type3A {offsets = [0, 0], sizes = [128, 128], strides = [1, 1]} : vector<512x128xbf16> to vector<128x128xbf16>
    %dot_general3A_55 = arith.constant dense<0.000000e+00> : vector<4096x128xf32>
    %dot_general3A_56 = tpu.matmul %convert_element_type3A_53, %slice3A_54, %dot_general3A_55 {dimension_numbers = #tpu.dot_dimension_numbers<[1], [0], [0], [1], [0, 0, 1, 1], [], []>, transpose_lhs_hint = false} : vector<4096x128xbf16>, vector<128x128xbf16>, vector<4096x128xf32> -> vector<4096x128xf32>
    %add3A_57 = arith.addf %add3A_49, %dot_general3A_56 : vector<4096x128xf32>
    %get3A_58 = arith.constant 0 : index
    %get3A_59 = arith.constant 0 : index
    %get3A_60 = vector.load %arg4[%get3A_58, %get3A_59] : memref<4096x128xf32, #tpu.memory_space<vmem>>, vector<4096x128xf32>
    %convert_element_type3A_61 = arith.truncf %get3A_60 : vector<4096x128xf32> to vector<4096x128xbf16>
    %slice3A_62 = vector.extract_strided_slice %convert_element_type3A {offsets = [256, 0], sizes = [128, 128], strides = [1, 1]} : vector<512x128xbf16> to vector<128x128xbf16>
    %dot_general3A_63 = arith.constant dense<0.000000e+00> : vector<4096x128xf32>
    %dot_general3A_64 = tpu.matmul %convert_element_type3A_61, %slice3A_62, %dot_general3A_63 {dimension_numbers = #tpu.dot_dimension_numbers<[1], [0], [0], [1], [0, 0, 1, 1], [], []>, transpose_lhs_hint = false} : vector<4096x128xbf16>, vector<128x128xbf16>, vector<4096x128xf32> -> vector<4096x128xf32>
    %add3A_65 = arith.addf %add3A_57, %dot_general3A_64 : vector<4096x128xf32>
    %add3A_66 = vector.broadcast %add3A : vector<1x128xf32> to vector<4096x128xf32>
    %add3A_67 = arith.addf %add3A_65, %add3A_66 : vector<4096x128xf32>
    %max3A_68 = arith.constant 0.000000e+00 : f32
    %max3A_69 = vector.broadcast %max3A_68 : f32 to vector<4096x128xf32>
    %max3A_70 = arith.maximumf %add3A_67, %max3A_69 : vector<4096x128xf32>
    %swap3A = arith.constant 0 : index
    %swap3A_71 = arith.constant 0 : index
    %swap3A_72 = vector.load %arg12[%swap3A, %swap3A_71] : memref<4096x128xf32, #tpu.memory_space<vmem>>, vector<4096x128xf32>
    tpu.vector_store %arg12[%swap3A, %swap3A_71], %max3A_70 {strides = array<i32>} : memref<4096x128xf32, #tpu.memory_space<vmem>>, vector<4096x128xf32>,
    return
  }
  func.func @transform_1(%arg0: i32) -> (i32, i32) {
    %add3A = arith.constant 2 : i32
    %add3A_0 = arith.addi %arg0, %add3A : i32
    %c0_i32 = arith.constant 0 : i32
    %c0_i32_1 = arith.constant 0 : i32
    return %c0_i32, %add3A_0 : i32, i32
  }
  func.func @transform_2(%arg0: i32) -> (i32, i32) {
    %c0_i32 = arith.constant 0 : i32
    %c0_i32_0 = arith.constant 0 : i32
    return %arg0, %c0_i32 : i32, i32
  }
  func.func @transform_3(%arg0: i32) -> (i32, i32) {
    %c0_i32 = arith.constant 0 : i32
    %c0_i32_0 = arith.constant 0 : i32
    return %arg0, %c0_i32 : i32, i32
  }
  func.func @transform_4(%arg0: i32) -> (i32, i32) {
    %add3A = arith.constant 2 : i32
    %add3A_0 = arith.addi %arg0, %add3A : i32
    %c0_i32 = arith.constant 0 : i32
    %c0_i32_1 = arith.constant 0 : i32
    return %c0_i32, %add3A_0 : i32, i32
  }
  func.func @transform_5(%arg0: i32) -> (i32, i32) {
    %c0_i32 = arith.constant 0 : i32
    %c0_i32_0 = arith.constant 0 : i32
    %c0_i32_1 = arith.constant 0 : i32
    return %c0_i32, %c0_i32_0 : i32, i32
  }
  func.func @transform_6(%arg0: i32) -> (i32, i32) {
    %c0_i32 = arith.constant 0 : i32
    %c0_i32_0 = arith.constant 0 : i32
    %c0_i32_1 = arith.constant 0 : i32
    return %c0_i32, %c0_i32_0 : i32, i32
  }
  func.func @transform_7(%arg0: i32) -> (i32, i32) {
    %c0_i32 = arith.constant 0 : i32
    %c0_i32_0 = arith.constant 0 : i32
    %c0_i32_1 = arith.constant 0 : i32
    return %c0_i32, %c0_i32_0 : i32, i32
  }
  func.func @transform_8(%arg0: i32) -> (i32, i32) {
    %c0_i32 = arith.constant 0 : i32
    %c0_i32_0 = arith.constant 0 : i32
    %c0_i32_1 = arith.constant 0 : i32
    return %c0_i32, %c0_i32_0 : i32, i32
  }
  func.func @transform_9(%arg0: i32) -> (i32, i32) {
    %c0_i32 = arith.constant 0 : i32
    %c0_i32_0 = arith.constant 0 : i32
    %c0_i32_1 = arith.constant 0 : i32
    return %c0_i32, %c0_i32_0 : i32, i32
  }
  func.func @transform_10(%arg0: i32) -> (i32, i32) {
    %c0_i32 = arith.constant 0 : i32
    %c0_i32_0 = arith.constant 0 : i32
    %c0_i32_1 = arith.constant 0 : i32
    return %c0_i32, %c0_i32_0 : i32, i32
  }
  func.func @transform_11(%arg0: i32) -> (i32, i32) {
    %add3A = arith.constant 2 : i32
    %add3A_0 = arith.addi %arg0, %add3A : i32
    %c0_i32 = arith.constant 0 : i32
    %c0_i32_1 = arith.constant 0 : i32
    return %add3A_0, %c0_i32 : i32, i32
  }
}

</mosaic_0001>

<sc_bundles>
// kernel: kernel.6.cloned.1.call-start
scs
__scs_entry_jumppad:
0x0: {  	(pc) =	sbr.rel $0x88, $3  }
0x1: {  	(tag) =	ssettag $0x0;
	lr =	simm.s32 $0x1  }
0x2: {  	[smem:$0x3F93] =	sst lr;
	_ =	strace $0xD0000000  }
0x3: {  	_ = 	snop  }
0x4: {  	_ = 	snop  }
0x5: {  	_ = 	snop  }
0x6: {  	_ = 	snop  }
0x7: {  	_ = 	snop  }
__scs_overlays_trampoline_lowered:
0x8: {  	[smem:$0x3FA2] =	sst s0  }
0x9: {  	[smem:$0x3FA3] =	sst s1  }
0xa: {  	[smem:$0x3FA4] =	sst s2  }
0xb: {  	[smem:$0x3FA5] =	sst s3  }
0xc: {  	[smem:$0x3FA6] =	sst s4  }
0xd: {  	[smem:$0x3FA7] =	sst s5  }
0xe: {  	[smem:$0x3FA8] =	sst s6  }
0xf: {  	[smem:$0x3FA9] =	sst s7  }
0x10: {  	[smem:$0x3FAA] =	sst s8  }
0x11: {  	[smem:$0x3FAB] =	sst s9;
	s0 =	simm.s32 @!p0 $0x0  }
0x12: {  	s1 =	sld [smem:$0x3F91];
	s0 =	simm.s32 @p0 $0x1  }
0x13: {  	[smem:$0x3FAC] =	sst s0;
	s0 =	simm.s32 @!p1 $0x0  }
0x14: {  	s2 =	sld [smem:$0x3F90];
	s0 =	simm.s32 @p1 $0x1  }
0x15: {  	[smem:$0x3FAD] =	sst s0;
	s0 =	simm.s32 @!p2 $0x0  }
0x16: {  	s3 =	sld [smem:$0x3FDB];
	s0 =	simm.s32 @p2 $0x1  }
0x17: {  	s4 =	simm.s32 $0x1BF5;
	[smem:$0x3FAF] =	sst s0  }
0x18: {  	s0 =	sld [smem:$0x3F92];
	_ =	swait.ge [sflag:s4], $0x0  }
0x19: {  	s7 =	sld [smem:$0x3F93]  }
0x1a: {  	s8 =	sadd.s32 $0xFFFFE003, lr  }
0x1b: {  	s9 =	sadd.s32 $0xFFFFFEF7, lr;
	s5 =	simm.s32 $0xFFFFFFFF;
	p2 =	slt.u32 s8, $0xFFFFF086  }
0x1c: {  	p1 =	slt.u32 s9, $0xF7A;
	s5 =	simm.s32 @!p2 $0x0  }
0x1d: {  	s5 =	simm.s32 @p1 $0x1;
	p0 =	seq.s32 s7, s2  }
0x1e: {  	s7 =	smul.u32 @!p0 $0xF7A, s2;
	p2 =	seq.s32 @!p0 s5, $0x0  }
0x1f: {  	s9 =	smul.u32 $0xF7A, s1;
	s8 =	simm.s32 @!p0 $0x1BF5;
	p2 =	por !p2, p0  }
0x20: {  	[sflag:s8] =	ssyncset.s32 @!p0 $0xFFFFF086;
	s6 =	sadd.s32 @!p0 s3, s7;
	s7 =	simm.s32 @!p0 $0x108  }
0x21: {  	s3 =	sadd.s32 s3, s9;
	s6 =	sadd.s32 @!p0 $0x88, s6;
	s7 =	simm.s32 @p2 $0x1082  }
0x22: {  	[simem:s7], [sflag:s8] =	dma.local @!p0 [hbm:s6], $0xF7A  }
0x23: {  	s9 =	sor.u32 $0xD0000000, s2;
	s6 =	simm.s32 $0x108;
	_ =	swait.ge @!p0 [sflag:s8], $0x0  }
0x24: {  	s3 =	sadd.s32 $0x88, s3;
	s6 =	simm.s32 @!p1 $0x1082;
	[sflag:s4] =	ssyncset.s32 $0xFFFFF086  }
0x25: {  	[simem:s6], [sflag:s4] =	dma.local [hbm:s3], $0xF7A  }
0x26: {  	[smem:$0x3F93] =	sst s1;
	(tag) =	ssettag s2;
	_ =	strace s9  }
0x27: {  	s1 =	sld [smem:$0x3FA3]  }
0x28: {  	s2 =	sld [smem:$0x3FA4]  }
0x29: {  	s4 =	sld [smem:$0x3FA6]  }
0x2a: {  	p0 =	seq.s32 s5, $0x0;
	s5 =	sld [smem:$0x3FA7]  }
0x2b: {  	s6 =	sld [smem:$0x3FA8]  }
0x2c: {  	s7 =	sld [smem:$0x3FA9]  }
0x2d: {  	s3 =	simm.s32 $0x108;
	s8 =	sld [smem:$0x3FAA]  }
0x2e: {  	s3 =	simm.s32 @!p0 $0x1082;
	s9 =	sld [smem:$0x3FAB]  }
0x2f: {  	lr =	sadd.s32 s0, s3;
	s0 =	sld [smem:$0x3FA2]  }
0x30: {  	s3 =	sld [smem:$0x3FA5]  }
0x31: {  	[smem:$0x3FAE] =	sst s10  }
0x32: {  	s10 =	sld [smem:$0x3FAC];
	_ =	sdelay $0x3  }
0x33: {  	p0 =	seq.s32 s10, $0x1;
	s10 =	sld [smem:$0x3FAE];
	_ =	sdelay $0x3  }
0x34: {  	[smem:$0x3FAE] =	sst s10  }
0x35: {  	s10 =	sld [smem:$0x3FAD];
	_ =	sdelay $0x3  }
0x36: {  	p1 =	seq.s32 s10, $0x1;
	s10 =	sld [smem:$0x3FAE];
	_ =	sdelay $0x3  }
0x37: {  	[smem:$0x3FAE] =	sst s10  }
0x38: {  	s10 =	sld [smem:$0x3FAF]  }
0x39: {  	_ = 	snop;
	(pc) =	sbr.ind lr, $3  }
0x3a: {  	_ = 	snop  }
0x3b: {  	_ = 	snop  }
0x3c: {  	p2 =	seq.s32 s10, $0x1;
	s10 =	sld [smem:$0x3FAE]  }
0x3d: {  	_ =	shalt  }
0x3e: {  	_ =	shalt  }
0x3f: {  	_ =	shalt  }
0x40: {  	_ =	shalt  }
0x41: {  	_ =	shalt  }
0x42: {  	_ =	shalt  }
0x43: {  	_ =	shalt  }
0x44: {  	_ =	shalt  }
0x45: {  	_ =	shalt  }
0x46: {  	_ =	shalt  }
0x47: {  	_ =	shalt  }
0x48: {  	_ =	shalt  }
0x49: {  	_ =	shalt  }
0x4a: {  	_ =	shalt  }
0x4b: {  	_ =	shalt  }
0x4c: {  	_ =	shalt  }
0x4d: {  	_ =	shalt  }
0x4e: {  	_ =	shalt  }
0x4f: {  	_ =	shalt  }
0x50: {  	_ =	shalt  }
0x51: {  	_ =	shalt  }
0x52: {  	_ =	shalt  }
0x53: {  	_ =	shalt  }
0x54: {  	_ =	shalt  }
0x55: {  	_ =	shalt  }
0x56: {  	_ =	shalt  }
0x57: {  	_ =	shalt  }
0x58: {  	_ =	shalt  }
0x59: {  	_ =	shalt  }
0x5a: {  	_ =	shalt  }
0x5b: {  	_ =	shalt  }
0x5c: {  	_ =	shalt  }
0x5d: {  	_ =	shalt  }
0x5e: {  	_ =	shalt  }
0x5f: {  	_ =	shalt  }
0x60: {  	_ =	shalt  }
0x61: {  	_ =	shalt  }
0x62: {  	_ =	shalt  }
0x63: {  	_ =	shalt  }
0x64: {  	_ =	shalt  }
0x65: {  	_ =	shalt  }
0x66: {  	_ =	shalt  }
0x67: {  	_ =	shalt  }
0x68: {  	_ =	shalt  }
0x69: {  	_ =	shalt  }
0x6a: {  	_ =	shalt  }
0x6b: {  	_ =	shalt  }
0x6c: {  	_ =	shalt  }
0x6d: {  	_ =	shalt  }
0x6e: {  	_ =	shalt  }
0x6f: {  	_ =	shalt  }
0x70: {  	_ =	shalt  }
0x71: {  	_ =	shalt  }
0x72: {  	_ =	shalt  }
0x73: {  	_ =	shalt  }
0x74: {  	_ =	shalt  }
0x75: {  	_ =	shalt  }
0x76: {  	_ =	shalt  }
0x77: {  	_ =	shalt  }
0x78: {  	_ =	shalt  }
0x79: {  	_ =	shalt  }
0x7a: {  	_ =	shalt  }
0x7b: {  	_ =	shalt  }
0x7c: {  	_ =	shalt  }
0x7d: {  	_ =	shalt  }
0x7e: {  	_ =	shalt  }
0x7f: {  	_ =	shalt  }
0x80: {  	_ =	shalt  }
0x81: {  	_ =	shalt  }
0x82: {  	_ =	shalt  }
0x83: {  	_ =	shalt  }
0x84: {  	_ =	shalt  }
0x85: {  	_ =	shalt  }
0x86: {  	_ =	shalt  }
0x87: {  	_ =	shalt  }
.Lfunc_end0:
.L_simem_size_0:
called_computation_lowered:
.L_overlay_start_0:
0x88: {  	s2 =	sld [smem:$0x3FD9]  }
0x89: {  	s3 =	sld [smem:$0x3FFE];
	_ =	sdelay $0x1  }
0x8a: {  	s1 =	srdreg.scid  }
0x8b: {  	s0 =	sand.u32 $0x1, s1  }
0x8c: {  	s17 =	sshll.u32 s0, $0xA;
	s2 =	sadd.s32 s3, s2  }
0x8d: {  	s2 =	sadd.s32 s2, s17  }
0x8e: {  	[smem:$0x3FBA] =	sst s2  }
0x8f: {  	_ = 	snop  }
0x90: {  	s2 =	sld [smem:$0x3FC4]  }
0x91: {  	s18 =	sld [smem:$0x3FC2]  }
0x92: {  	s4 =	sld [smem:$0x3FD0];
	(tm) =	ssettm $0x1  }
0x93: {  	s5 =	sld [smem:$0x3FFB];
	_ =	sdelay $0x3  }
0x94: {  	_ =	strace s5  }
0x95: {  	s5 =	sld [smem:$0x3FFC];
	_ =	sdelay $0x3  }
0x96: {  	_ =	strace s5  }
0x97: {  	s5 =	sld [smem:$0x3FFD];
	_ =	sdelay $0x3  }
0x98: {  	_ =	strace s5  }
0x99: {  	_ =	strace $0x8FFFFFFF  }
0x9a: {  	s19 =	sld [smem:$0x3FDB];
	_ =	sdelay $0x1  }
0x9b: {  	s6 =	simm.s32 $_scs_section_size  }
0x9c: {  	s7 =	simm.s32 $_size__tile_overlayer_lowered;
	s8 =	simm.s32 $_tile_overlayer_lowered  }
0x9d: {  	s22 =	simm.s32 $0x1BFF;
	s21 =	sshll.u32 s8, $0x1;
	s5 =	sadd.s32 s6, s19  }
0x9e: {  	s9 =	simm.s32 $0x0;
	s20 =	sshll.u32 s7, $0x1;
	s7 =	sadd.s32 s21, s5  }
0x9f: {  	[timem:s9], [sflag:s22] =	dma.local [hbm:s7], s20  }
0xa0: {  	_ =	swait.ge [sflag:s22], s20  }
0xa1: {  	s6 =	ssub.s32 $0x0, s20;
	[sflag:s22] =	ssyncset.done $0x0  }
0xa2: {  	[sflag:s22] =	ssyncadd.s32 s6;
	_ =	sdelay $0x1  }
0xa3: {  	s23 =	simm.s32 $0x1B8B  }
0xa4: {  	_ =	swait.ge [sflag:s23], $0x1  }
0xa5: {  	[sflag:s23] =	ssyncset.done $0x0  }
0xa6: {  	s25 =	simm.s32 $0x1B8E;
	s24 =	sld [smem:$0x3FFE];
	[sflag:s23] =	ssyncadd.s32 $0xFFFFFFFF  }
0xa7: {  	s26 =	simm.s32 $execute0_lowered;
	[smem:$0x3FD2] =	sst s25  }
0xa8: {  	s7 =	sshll.u32 s26, $0x1;
	_ =	strace $0x80000046;
	[dreg:$0x1] =	wrdreg $0xFFFFFFFF  }
0xa9: {  	s28 =	simm.s32 $_size_execute0_lowered;
	s5 =	sadd.s32 s5, s7;
	[dreg:$0x0] =	wrdreg $0x0  }
0xaa: {  	s7 =	sshll.u32 s28, $0x1;
	[dreg:$0x2] =	wrdreg s5  }
0xab: {  	[dreg:$0x3] =	wrdreg s7  }
0xac: {  	[dreg:$0x4] =	wrdreg $0xC0  }
0xad: {  	_ =	task [dreg:s9], $0x5FFFF  }
0xae: {  	[dreg:$0x1] =	wrdreg $0xFFFFFFFF  }
0xaf: {  	[dreg:$0x0] =	wrdreg $0x60  }
0xb0: {  	[dreg:$0x2] =	wrdreg s2  }
0xb1: {  	[dreg:$0x3] =	wrdreg s18  }
0xb2: {  	[dreg:$0x4] =	wrdreg s24  }
0xb3: {  	[dreg:$0x5] =	wrdreg s4  }
0xb4: {  	[dreg:$0x6] =	wrdreg $0x9  }
0xb5: {  	_ =	task.clear_ibuf [dreg:s9], $0x7FFFF;
	_ =	strace $0x90000046  }
0xb6: {  	s29 =	simm.s32 $0x9;
	_ =	strace $0x80000048  }
0xb7: {  	_ =	swait.ge [sflag:s29], $0x1  }
0xb8: {  	[sflag:s29] =	ssyncadd.s32 $0xFFFFFFFF  }
0xb9: {  	_ =	strace $0x90000048  }
0xba: {  	_ =	sfence  }
0xbb: {  	s30 =	sld [smem:$0x0];
	_ =	sdelay $0x2  }
0xbc: {  	s31 =	sshll.u32 s1, $0xD;
	s1 =	sshrl.u32 s1, $0x2  }
0xbd: {  	s3 =	sand.u32 $0x4000, s31;
	s1 =	sadd.s32 s1, s30  }
0xbe: {  	s0 =	sor.u32 s3, s0;
	s1 =	sshll.u32 s1, $0x11  }
0xbf: {  	s0 =	sor.u32 s1, s0  }
0xc0: {  	s0 =	sadd.s32 $0x8F2B, s0  }
0xc1: {  	[sflag:s0] =	ssyncadd.remote.s32 $0x1  }
0xc2: {  	_ =	sfence.sel $0xFFFF  }
0xc3: {  	[dreg:$0x0] =	wrdreg $0xFFFFFFFF;
	(pc) =	sbr.abs _section_cstart, $3  }
0xc4: {  	[dreg:$0x1] =	wrdreg $0xFFFFFFFF  }
0xc5: {  	_ =	task.clear_ibuf [dreg:s9], $0x2FFFF;
	_ =	strace $0x9FFFFFFF  }
0xc6: {  	(tm) =	ssettm $0x7FFFFFFF  }
0xc7: {  	_ =	shalt  }
tec
execute0_lowered:
.L_overlay_start_1:
0x0: {  	(tag) =	ssettag $0x1  }
0x1: {  	s1 =	rddreg [dreg:$0x0]  }
0x2: {  	s3 =	srdreg.scid;
	s0 =	stileid.u32  }
0x3: {  	s2 =	rddreg [dreg:$0x1];
	s21 =	sand.u32 $0x1, s3;
	s30 =	sshll.u32 s0, $0x1  }
0x4: {  	s18 =	rddreg [dreg:$0x2];
	s16 =	sor.u32 s21, s30  }
0x5: {  	s7 =	rddreg [dreg:$0x3];
	s4 =	simm.s32 $0x0;
	s8 =	sshll.u32 s16, $0x5  }
0x6: {  	s6 =	simm.s32 $0x3;
	[smem:$0x7FF] =	sst s4;
	s5 =	sadd.s32 s8, s18  }
0x7: {  	s3 =	rddreg [dreg:$0x4];
	_ =	strace $0x80000047;
	s5 =	sadd.s32 $0x3200, s5  }
0x8: {  	[tilespmem:s4], [sflag:$0x3] =	stream.linear.gather [hbm4b:s5+s4], $0x100, $0x38;
	[tilespmem:$0x10200] =	vst v63  }
0x9: {  	_ =	swait.ge [sflag:s6], $0x100  }
0xa: {  	[sflag:s6] =	ssyncset.done $0x0  }
0xb: {  	s7 =	sadd.s32 s7, s8;
	s8 =	simm.s32 $0x100;
	[sflag:s6] =	ssyncadd.s32 $0xFFFFFF00  }
0xc: {  	[tilespmem:s8], [sflag:$0x3] =	stream.linear.gather [hbm4b:s7+s4], $0x100, $0x38;
	[tilespmem:$0x10200] =	vst v63  }
0xd: {  	_ =	swait.ge [sflag:s6], $0x100  }
0xe: {  	[sflag:s6] =	ssyncset.done $0x0  }
0xf: {  	s9 =	simm.s32 $0x80;
	s10 =	simm.s32 $0x200;
	[sflag:s6] =	ssyncadd.s32 $0xFFFFFF00  }
0x10: {  	[tilespmem:s10], [sflag:$0x1] =	stream.indirect.gather [hbm4b:s1+s9], $0x80, s4, s9, $0xb8;
	[tilespmem:$0x10200] =	vst v63  }
0x11: {  	s11 =	simm.s32 $0x4200  }
0x12: {  	[tilespmem:s11], [sflag:$0x1] =	stream.indirect.gather [hbm4b:s1+s9], $0x80, s9, s9, $0xb8;
	[tilespmem:$0x10200] =	vst v63  }
0x13: {  	s12 =	simm.s32 $0x8200  }
0x14: {  	[tilespmem:s12], [sflag:$0x1] =	stream.indirect.gather [hbm4b:s2+s9], $0x80, s8, s9, $0xb8;
	[tilespmem:$0x10200] =	vst v63  }
0x15: {  	s13 =	simm.s32 $0x180;
	s14 =	simm.s32 $0xC200;
	s15 =	simm.s32 $0x1  }
0x16: {  	[tilespmem:s14], [sflag:$0x1] =	stream.indirect.gather [hbm4b:s2+s9], $0x80, s13, s9, $0xb8;
	[tilespmem:$0x10200] =	vst v63  }
0x17: {  	_ =	swait.ge [sflag:s15], $0x4000  }
0x18: {  	s17 =	sadd.s32 $0x3600, s18;
	s19 =	sshll.u32 s16, $0xC;
	[sflag:s15] =	ssyncset.done $0x0  }
0x19: {  	s16 =	sadd.s32 s17, s19;
	[sflag:s15] =	ssyncadd.s32 $0xFFFFC000  }
0x1a: {  	[hbm4b:s16+s4] =	stream.linear.scatter [tilespmem:s10], [sflag:$0x2], $0x4000, $0x38;
	[tilespmem:$0x10200] =	vst v63  }
0x1b: {  	_ =	swait.ge [sflag:s15], $0x4000  }
0x1c: {  	s20 =	sor.u32 $0x800, s19;
	[sflag:s15] =	ssyncset.done $0x0  }
0x1d: {  	s17 =	sadd.s32 s17, s20;
	[sflag:s15] =	ssyncadd.s32 $0xFFFFC000  }
0x1e: {  	[hbm4b:s17+s4] =	stream.linear.scatter [tilespmem:s11], [sflag:$0x2], $0x4000, $0x38;
	[tilespmem:$0x10200] =	vst v63  }
0x1f: {  	_ =	swait.ge [sflag:s15], $0x4000  }
0x20: {  	s22 =	sadd.s32 $0x23600, s18;
	[sflag:s15] =	ssyncset.done $0x0  }
0x21: {  	s18 =	sadd.s32 s22, s19;
	[sflag:s15] =	ssyncadd.s32 $0xFFFFC000  }
0x22: {  	[hbm4b:s18+s4] =	stream.linear.scatter [tilespmem:s12], [sflag:$0x2], $0x4000, $0x38;
	[tilespmem:$0x10200] =	vst v63  }
0x23: {  	_ =	swait.ge [sflag:s15], $0x4000  }
0x24: {  	[sflag:s15] =	ssyncset.done $0x0  }
0x25: {  	s19 =	simm.s32 $0x2;
	s20 =	sadd.s32 s22, s20;
	[sflag:s15] =	ssyncadd.s32 $0xFFFFC000  }
0x26: {  	[hbm4b:s20+s4] =	stream.linear.scatter [tilespmem:s14], [sflag:$0x2], $0x4000, $0x38;
	[tilespmem:$0x10200] =	vst v63  }
0x27: {  	_ =	swait.ge [sflag:s19], $0x4000  }
0x28: {  	s21 =	ssub.s32 $0x2, s21;
	[sflag:s19] =	ssyncset.done $0x0  }
0x29: {  	s31 =	sshrl.u32 s21, $0x1;
	[sflag:s19] =	ssyncadd.s32 $0xFFFFC000  }
0x2a: {  	s21 =	ssub.s32 s21, s31;
	_ =	swait.ge [sflag:s19], $0x4000  }
0x2b: {  	s21 =	smax.u32 s21, $0x1;
	[sflag:s19] =	ssyncset.done $0x0  }
0x2c: {  	p0 =	sne.s32 s21, $0x1;
	[sflag:s19] =	ssyncadd.s32 $0xFFFFC000  }
.Ltmp0:
0x2d: {  	_ =	swait.ge [sflag:s19], $0x4000;
	(pc) =	sbr.rel @!p0 .LBB2_2-.Ltmp0, $4  }
0x2e: {  	[sflag:s19] =	ssyncset.done $0x0  }
0x2f: {  	[sflag:s19] =	ssyncadd.s32 $0xFFFFC000  }
0x30: {  	_ =	swait.ge [sflag:s19], $0x4000  }
0x31: {  	s21 =	sadd.s32 $0xFFFFFFFF, s21;
	[sflag:s19] =	ssyncset.done $0x0  }
.LBB2_1:
0x32: {  	p0 =	sne.s32 s21, $0x1;
	s21 =	sadd.s32 $0xFFFFFFFF, s21;
	[sflag:s19] =	ssyncadd.s32 $0xFFFFC000  }
0x33: {  	[tilespmem:s4], [sflag:$0x3] =	stream.linear.gather [hbm4b:s5+s4], $0x100, $0x38;
	[tilespmem:$0x10200] =	vst v63  }
0x34: {  	_ =	swait.ge [sflag:s6], $0x100  }
0x35: {  	[sflag:s6] =	ssyncset.done $0x0  }
0x36: {  	[sflag:s6] =	ssyncadd.s32 $0xFFFFFF00  }
0x37: {  	[tilespmem:s8], [sflag:$0x3] =	stream.linear.gather [hbm4b:s7+s4], $0x100, $0x38;
	[tilespmem:$0x10200] =	vst v63  }
0x38: {  	_ =	swait.ge [sflag:s6], $0x100  }
0x39: {  	[sflag:s6] =	ssyncset.done $0x0  }
0x3a: {  	[sflag:s6] =	ssyncadd.s32 $0xFFFFFF00  }
0x3b: {  	[tilespmem:s10], [sflag:$0x1] =	stream.indirect.gather [hbm4b:s1+s9], $0x80, s4, s9, $0xb8;
	[tilespmem:$0x10200] =	vst v63  }
0x3c: {  	_ = 	snop  }
0x3d: {  	[tilespmem:s11], [sflag:$0x1] =	stream.indirect.gather [hbm4b:s1+s9], $0x80, s9, s9, $0xb8;
	[tilespmem:$0x10200] =	vst v63  }
0x3e: {  	_ = 	snop  }
0x3f: {  	[tilespmem:s12], [sflag:$0x1] =	stream.indirect.gather [hbm4b:s2+s9], $0x80, s8, s9, $0xb8;
	[tilespmem:$0x10200] =	vst v63  }
0x40: {  	_ = 	snop  }
0x41: {  	[tilespmem:s14], [sflag:$0x1] =	stream.indirect.gather [hbm4b:s2+s9], $0x80, s13, s9, $0xb8;
	[tilespmem:$0x10200] =	vst v63  }
0x42: {  	_ =	swait.ge [sflag:s15], $0x4000  }
0x43: {  	[sflag:s15] =	ssyncset.done $0x0  }
0x44: {  	[sflag:s15] =	ssyncadd.s32 $0xFFFFC000  }
0x45: {  	[hbm4b:s16+s4] =	stream.linear.scatter [tilespmem:s10], [sflag:$0x2], $0x4000, $0x38;
	[tilespmem:$0x10200] =	vst v63  }
0x46: {  	_ =	swait.ge [sflag:s15], $0x4000  }
0x47: {  	[sflag:s15] =	ssyncset.done $0x0  }
0x48: {  	[sflag:s15] =	ssyncadd.s32 $0xFFFFC000  }
0x49: {  	[hbm4b:s17+s4] =	stream.linear.scatter [tilespmem:s11], [sflag:$0x2], $0x4000, $0x38;
	[tilespmem:$0x10200] =	vst v63  }
0x4a: {  	_ =	swait.ge [sflag:s15], $0x4000  }
0x4b: {  	[sflag:s15] =	ssyncset.done $0x0  }
0x4c: {  	[sflag:s15] =	ssyncadd.s32 $0xFFFFC000  }
0x4d: {  	[hbm4b:s18+s4] =	stream.linear.scatter [tilespmem:s12], [sflag:$0x2], $0x4000, $0x38;
	[tilespmem:$0x10200] =	vst v63  }
0x4e: {  	_ =	swait.ge [sflag:s15], $0x4000  }
0x4f: {  	[sflag:s15] =	ssyncset.done $0x0  }
0x50: {  	[sflag:s15] =	ssyncadd.s32 $0xFFFFC000  }
0x51: {  	[hbm4b:s20+s4] =	stream.linear.scatter [tilespmem:s14], [sflag:$0x2], $0x4000, $0x38;
	[tilespmem:$0x10200] =	vst v63  }
0x52: {  	_ =	swait.ge [sflag:s19], $0x4000  }
0x53: {  	[sflag:s19] =	ssyncset.done $0x0  }
0x54: {  	[sflag:s19] =	ssyncadd.s32 $0xFFFFC000  }
0x55: {  	_ =	swait.ge [sflag:s19], $0x4000  }
0x56: {  	[sflag:s19] =	ssyncset.done $0x0  }
0x57: {  	[sflag:s19] =	ssyncadd.s32 $0xFFFFC000  }
.Ltmp1:
0x58: {  	_ =	swait.ge [sflag:s19], $0x4000;
	(pc) =	sbr.rel @p0 .LBB2_1-.Ltmp1, $4  }
0x59: {  	[sflag:s19] =	ssyncset.done $0x0  }
0x5a: {  	[sflag:s19] =	ssyncadd.s32 $0xFFFFC000  }
0x5b: {  	_ =	swait.ge [sflag:s19], $0x4000  }
0x5c: {  	[sflag:s19] =	ssyncset.done $0x0  }
.LBB2_2:
0x5d: {  	[sflag:s19] =	ssyncadd.s32 $0xFFFFC000  }
0x5e: {  	_ =	sfence.sel $0x180000  }
0x5f: {  	[bflag:$0x0] =	sbarrier.arrive $0xFFFF  }
0x60: {  	p0 =	sne.s32 s0, $0x0;
	_ =	strace $0x90000047  }
0x61: {  	s0 =	sadd.s32 @!p0 $0x100000, s3;
	[bflag:$0x2] =	sbarrier.arrive $0xFFFF  }
0x62: {  	[sflag:s0] =	ssyncadd.tile.s32 @!p0 $0x1;
	_ =	shalt  }
.Lfunc_end2:
_tile_overlayer_lowered:
.L_overlay_start_2:
0x63: {  	(tag) =	ssettag $0x2  }
0x64: {  	s0 =	rddreg [dreg:$0x0];
	s2 =	stileid.u32  }
0x65: {  	s1 =	rddreg [dreg:$0x1];
	p0 =	sne.s32 s2, $0x0  }
0x66: {  	s3 =	rddreg [dreg:$0x2];
	[bflag:$0x3] =	sbarrier.arrive $0xFFFF;
	s2 =	simm.s32 @!p0 $0x1C03  }
0x67: {  	[timem:s3], [sflag:s2] =	dma.local @!p0 [hbm:s0], s1  }
0x68: {  	s0 =	simm.s32 @!p0 $0x3  }
0x69: {  	_ =	swait.ge @!p0 [sflag:s0], s1  }
0x6a: {  	s1 =	ssub.s32 @!p0 $0x0, s1;
	[sflag:s0] =	ssyncset.done @!p0 $0x0  }
0x6b: {  	[sflag:s0] =	ssyncadd.s32 @!p0 s1  }
0x6c: {  	[bflag:$0x3] =	sbarrier.arrive $0xFFFF  }
0x6d: {  	_ =	shalt  }

// kernel: kernel.9.cloned.1.call-start
scs
__scs_entry_jumppad:
0x0: {  	(pc) =	sbr.rel $0x88, $3  }
0x1: {  	(tag) =	ssettag $0x0;
	lr =	simm.s32 $0x1  }
0x2: {  	[smem:$0x3F93] =	sst lr;
	_ =	strace $0xD0000000  }
0x3: {  	_ = 	snop  }
0x4: {  	_ = 	snop  }
0x5: {  	_ = 	snop  }
0x6: {  	_ = 	snop  }
0x7: {  	_ = 	snop  }
__scs_overlays_trampoline_lowered:
0x8: {  	[smem:$0x3FA2] =	sst s0  }
0x9: {  	[smem:$0x3FA3] =	sst s1  }
0xa: {  	[smem:$0x3FA4] =	sst s2  }
0xb: {  	[smem:$0x3FA5] =	sst s3  }
0xc: {  	[smem:$0x3FA6] =	sst s4  }
0xd: {  	[smem:$0x3FA7] =	sst s5  }
0xe: {  	[smem:$0x3FA8] =	sst s6  }
0xf: {  	[smem:$0x3FA9] =	sst s7  }
0x10: {  	[smem:$0x3FAA] =	sst s8  }
0x11: {  	[smem:$0x3FAB] =	sst s9;
	s0 =	simm.s32 @!p0 $0x0  }
0x12: {  	s1 =	sld [smem:$0x3F91];
	s0 =	simm.s32 @p0 $0x1  }
0x13: {  	[smem:$0x3FAC] =	sst s0;
	s0 =	simm.s32 @!p1 $0x0  }
0x14: {  	s2 =	sld [smem:$0x3F90];
	s0 =	simm.s32 @p1 $0x1  }
0x15: {  	[smem:$0x3FAD] =	sst s0;
	s0 =	simm.s32 @!p2 $0x0  }
0x16: {  	s3 =	sld [smem:$0x3FDB];
	s0 =	simm.s32 @p2 $0x1  }
0x17: {  	s4 =	simm.s32 $0x1BF5;
	[smem:$0x3FAF] =	sst s0  }
0x18: {  	s0 =	sld [smem:$0x3F92];
	_ =	swait.ge [sflag:s4], $0x0  }
0x19: {  	s7 =	sld [smem:$0x3F93]  }
0x1a: {  	s8 =	sadd.s32 $0xFFFFE003, lr  }
0x1b: {  	s9 =	sadd.s32 $0xFFFFFEF7, lr;
	s5 =	simm.s32 $0xFFFFFFFF;
	p2 =	slt.u32 s8, $0xFFFFF086  }
0x1c: {  	p1 =	slt.u32 s9, $0xF7A;
	s5 =	simm.s32 @!p2 $0x0  }
0x1d: {  	s5 =	simm.s32 @p1 $0x1;
	p0 =	seq.s32 s7, s2  }
0x1e: {  	s7 =	smul.u32 @!p0 $0xF7A, s2;
	p2 =	seq.s32 @!p0 s5, $0x0  }
0x1f: {  	s9 =	smul.u32 $0xF7A, s1;
	s8 =	simm.s32 @!p0 $0x1BF5;
	p2 =	por !p2, p0  }
0x20: {  	[sflag:s8] =	ssyncset.s32 @!p0 $0xFFFFF086;
	s6 =	sadd.s32 @!p0 s3, s7;
	s7 =	simm.s32 @!p0 $0x108  }
0x21: {  	s3 =	sadd.s32 s3, s9;
	s6 =	sadd.s32 @!p0 $0x88, s6;
	s7 =	simm.s32 @p2 $0x1082  }
0x22: {  	[simem:s7], [sflag:s8] =	dma.local @!p0 [hbm:s6], $0xF7A  }
0x23: {  	s9 =	sor.u32 $0xD0000000, s2;
	s6 =	simm.s32 $0x108;
	_ =	swait.ge @!p0 [sflag:s8], $0x0  }
0x24: {  	s3 =	sadd.s32 $0x88, s3;
	s6 =	simm.s32 @!p1 $0x1082;
	[sflag:s4] =	ssyncset.s32 $0xFFFFF086  }
0x25: {  	[simem:s6], [sflag:s4] =	dma.local [hbm:s3], $0xF7A  }
0x26: {  	[smem:$0x3F93] =	sst s1;
	(tag) =	ssettag s2;
	_ =	strace s9  }
0x27: {  	s1 =	sld [smem:$0x3FA3]  }
0x28: {  	s2 =	sld [smem:$0x3FA4]  }
0x29: {  	s4 =	sld [smem:$0x3FA6]  }
0x2a: {  	p0 =	seq.s32 s5, $0x0;
	s5 =	sld [smem:$0x3FA7]  }
0x2b: {  	s6 =	sld [smem:$0x3FA8]  }
0x2c: {  	s7 =	sld [smem:$0x3FA9]  }
0x2d: {  	s3 =	simm.s32 $0x108;
	s8 =	sld [smem:$0x3FAA]  }
0x2e: {  	s3 =	simm.s32 @!p0 $0x1082;
	s9 =	sld [smem:$0x3FAB]  }
0x2f: {  	lr =	sadd.s32 s0, s3;
	s0 =	sld [smem:$0x3FA2]  }
0x30: {  	s3 =	sld [smem:$0x3FA5]  }
0x31: {  	[smem:$0x3FAE] =	sst s10  }
0x32: {  	s10 =	sld [smem:$0x3FAC];
	_ =	sdelay $0x3  }
0x33: {  	p0 =	seq.s32 s10, $0x1;
	s10 =	sld [smem:$0x3FAE];
	_ =	sdelay $0x3  }
0x34: {  	[smem:$0x3FAE] =	sst s10  }
0x35: {  	s10 =	sld [smem:$0x3FAD];
	_ =	sdelay $0x3  }
0x36: {  	p1 =	seq.s32 s10, $0x1;
	s10 =	sld [smem:$0x3FAE];
	_ =	sdelay $0x3  }
0x37: {  	[smem:$0x3FAE] =	sst s10  }
0x38: {  	s10 =	sld [smem:$0x3FAF]  }
0x39: {  	_ = 	snop;
	(pc) =	sbr.ind lr, $3  }
0x3a: {  	_ = 	snop  }
0x3b: {  	_ = 	snop  }
0x3c: {  	p2 =	seq.s32 s10, $0x1;
	s10 =	sld [smem:$0x3FAE]  }
0x3d: {  	_ =	shalt  }
0x3e: {  	_ =	shalt  }
0x3f: {  	_ =	shalt  }
0x40: {  	_ =	shalt  }
0x41: {  	_ =	shalt  }
0x42: {  	_ =	shalt  }
0x43: {  	_ =	shalt  }
0x44: {  	_ =	shalt  }
0x45: {  	_ =	shalt  }
0x46: {  	_ =	shalt  }
0x47: {  	_ =	shalt  }
0x48: {  	_ =	shalt  }
0x49: {  	_ =	shalt  }
0x4a: {  	_ =	shalt  }
0x4b: {  	_ =	shalt  }
0x4c: {  	_ =	shalt  }
0x4d: {  	_ =	shalt  }
0x4e: {  	_ =	shalt  }
0x4f: {  	_ =	shalt  }
0x50: {  	_ =	shalt  }
0x51: {  	_ =	shalt  }
0x52: {  	_ =	shalt  }
0x53: {  	_ =	shalt  }
0x54: {  	_ =	shalt  }
0x55: {  	_ =	shalt  }
0x56: {  	_ =	shalt  }
0x57: {  	_ =	shalt  }
0x58: {  	_ =	shalt  }
0x59: {  	_ =	shalt  }
0x5a: {  	_ =	shalt  }
0x5b: {  	_ =	shalt  }
0x5c: {  	_ =	shalt  }
0x5d: {  	_ =	shalt  }
0x5e: {  	_ =	shalt  }
0x5f: {  	_ =	shalt  }
0x60: {  	_ =	shalt  }
0x61: {  	_ =	shalt  }
0x62: {  	_ =	shalt  }
0x63: {  	_ =	shalt  }
0x64: {  	_ =	shalt  }
0x65: {  	_ =	shalt  }
0x66: {  	_ =	shalt  }
0x67: {  	_ =	shalt  }
0x68: {  	_ =	shalt  }
0x69: {  	_ =	shalt  }
0x6a: {  	_ =	shalt  }
0x6b: {  	_ =	shalt  }
0x6c: {  	_ =	shalt  }
0x6d: {  	_ =	shalt  }
0x6e: {  	_ =	shalt  }
0x6f: {  	_ =	shalt  }
0x70: {  	_ =	shalt  }
0x71: {  	_ =	shalt  }
0x72: {  	_ =	shalt  }
0x73: {  	_ =	shalt  }
0x74: {  	_ =	shalt  }
0x75: {  	_ =	shalt  }
0x76: {  	_ =	shalt  }
0x77: {  	_ =	shalt  }
0x78: {  	_ =	shalt  }
0x79: {  	_ =	shalt  }
0x7a: {  	_ =	shalt  }
0x7b: {  	_ =	shalt  }
0x7c: {  	_ =	shalt  }
0x7d: {  	_ =	shalt  }
0x7e: {  	_ =	shalt  }
0x7f: {  	_ =	shalt  }
0x80: {  	_ =	shalt  }
0x81: {  	_ =	shalt  }
0x82: {  	_ =	shalt  }
0x83: {  	_ =	shalt  }
0x84: {  	_ =	shalt  }
0x85: {  	_ =	shalt  }
0x86: {  	_ =	shalt  }
0x87: {  	_ =	shalt  }
.Lfunc_end0:
.L_simem_size_0:
called_computation.1_lowered:
.L_overlay_start_0:
0x88: {  	s2 =	sld [smem:$0x3FD9]  }
0x89: {  	s3 =	sld [smem:$0x3FFE];
	_ =	sdelay $0x1  }
0x8a: {  	s1 =	srdreg.scid  }
0x8b: {  	s0 =	sand.u32 $0x1, s1  }
0x8c: {  	s17 =	sshll.u32 s0, $0xA;
	s2 =	sadd.s32 s3, s2  }
0x8d: {  	s2 =	sadd.s32 s2, s17  }
0x8e: {  	[smem:$0x3FBA] =	sst s2  }
0x8f: {  	_ = 	snop  }
0x90: {  	s18 =	sld [smem:$0x3FC4]  }
0x91: {  	s4 =	sld [smem:$0x3FC2];
	(tm) =	ssettm $0x1  }
0x92: {  	s19 =	sld [smem:$0x3FFB];
	_ =	sdelay $0x3  }
0x93: {  	_ =	strace s19  }
0x94: {  	s2 =	sld [smem:$0x3FFC];
	_ =	sdelay $0x3  }
0x95: {  	_ =	strace s2  }
0x96: {  	s2 =	sld [smem:$0x3FFD];
	_ =	sdelay $0x3  }
0x97: {  	_ =	strace s2  }
0x98: {  	_ =	strace $0x8FFFFFFF  }
0x99: {  	s20 =	sld [smem:$0x3FDB];
	_ =	sdelay $0x1  }
0x9a: {  	s5 =	simm.s32 $_scs_section_size  }
0x9b: {  	s6 =	simm.s32 $_size__tile_overlayer_lowered;
	s7 =	simm.s32 $_tile_overlayer_lowered  }
0x9c: {  	s8 =	simm.s32 $0x1BFF;
	s21 =	sshll.u32 s7, $0x1;
	s5 =	sadd.s32 s5, s20  }
0x9d: {  	s22 =	simm.s32 $0x0;
	s6 =	sshll.u32 s6, $0x1;
	s7 =	sadd.s32 s21, s5  }
0x9e: {  	[timem:s22], [sflag:s8] =	dma.local [hbm:s7], s6  }
0x9f: {  	_ =	swait.ge [sflag:s8], s6  }
0xa0: {  	s6 =	ssub.s32 $0x0, s6;
	[sflag:s8] =	ssyncset.done $0x0  }
0xa1: {  	[sflag:s8] =	ssyncadd.s32 s6;
	_ =	sdelay $0x1  }
0xa2: {  	s23 =	simm.s32 $0x1B8B  }
0xa3: {  	_ =	swait.ge [sflag:s23], $0x1  }
0xa4: {  	[sflag:s23] =	ssyncset.done $0x0  }
0xa5: {  	[sflag:s23] =	ssyncadd.s32 $0xFFFFFFFF  }
0xa6: {  	s6 =	sld [smem:$0x0]  }
0xa7: {  	s7 =	sand.u32 $0xFFFFFFFE, s1  }
0xa8: {  	p0 =	sne.s32 s1, s7  }
0xa9: {  	s7 =	sshll.u32 @p0 s7, $0xE  }
0xaa: {  	s7 =	sadd.s32 @p0 $0x11B8D, s7;
	s8 =	sshll.u32 @p0 s6, $0x11  }
0xab: {  	s7 =	sor.u32 @p0 s8, s7  }
0xac: {  	[sflag:s7] =	ssyncadd.remote.s32 @p0 $0x1;
	_ =	sdelay $0x1  }
0xad: {  	s7 =	simm.s32 @p0 $0x1B8D  }
0xae: {  	_ =	swait.eq @p0 [sflag:s7], $0x1  }
0xaf: {  	[sflag:s7] =	ssyncadd.s32 @p0 $0xFFFFFFFF  }
0xb0: {  	s8 =	sshll.u32 @!p0 s1, $0xE  }
0xb1: {  	s8 =	sor.u32 @!p0 $0x4000, s8;
	s7 =	simm.s32 @!p0 $0x1B8D  }
0xb2: {  	s6 =	sshll.u32 @!p0 s6, $0x11;
	s8 =	sadd.s32 @!p0 $0x11B8D, s8;
	_ =	swait.eq @!p0 [sflag:s7], $0x1  }
0xb3: {  	s6 =	sor.u32 @!p0 s6, s8;
	[sflag:s7] =	ssyncadd.s32 @!p0 $0xFFFFFFFF  }
0xb4: {  	s25 =	simm.s32 $0x1B8E;
	s24 =	sld [smem:$0x3FFE];
	[sflag:s6] =	ssyncadd.remote.s32 @!p0 $0x1  }
0xb5: {  	s26 =	simm.s32 $execute0_lowered;
	[smem:$0x3FD2] =	sst s25  }
0xb6: {  	s7 =	sshll.u32 s26, $0x1;
	_ =	strace $0x80000049;
	[dreg:$0x1] =	wrdreg $0xFFFFFFFF  }
0xb7: {  	s28 =	simm.s32 $_size_execute0_lowered;
	s5 =	sadd.s32 s5, s7;
	[dreg:$0x0] =	wrdreg $0x0  }
0xb8: {  	s7 =	sshll.u32 s28, $0x1;
	[dreg:$0x2] =	wrdreg s5  }
0xb9: {  	[dreg:$0x3] =	wrdreg s7  }
0xba: {  	[dreg:$0x4] =	wrdreg $0xC0  }
0xbb: {  	_ =	task [dreg:s22], $0x5FFFF  }
0xbc: {  	[dreg:$0x1] =	wrdreg $0xFFFFFFFF  }
0xbd: {  	[dreg:$0x0] =	wrdreg $0x60  }
0xbe: {  	[dreg:$0x2] =	wrdreg s18  }
0xbf: {  	[dreg:$0x3] =	wrdreg s4  }
0xc0: {  	[dreg:$0x4] =	wrdreg s24  }
0xc1: {  	[dreg:$0x5] =	wrdreg $0xA  }
0xc2: {  	_ =	task.clear_ibuf [dreg:s22], $0x6FFFF;
	_ =	strace $0x90000049  }
0xc3: {  	s29 =	simm.s32 $0xA;
	_ =	strace $0x8000004B  }
0xc4: {  	_ =	swait.ge [sflag:s29], $0x1  }
0xc5: {  	[sflag:s29] =	ssyncadd.s32 $0xFFFFFFFF  }
0xc6: {  	_ =	strace $0x9000004B  }
0xc7: {  	_ =	sfence  }
0xc8: {  	s30 =	sld [smem:$0x0];
	_ =	sdelay $0x2  }
0xc9: {  	s31 =	sshll.u32 s1, $0xD;
	s1 =	sshrl.u32 s1, $0x2  }
0xca: {  	s4 =	sand.u32 $0x4000, s31;
	s1 =	sadd.s32 s1, s30  }
0xcb: {  	s0 =	sor.u32 s4, s0;
	s1 =	sshll.u32 s1, $0x11  }
0xcc: {  	s0 =	sor.u32 s1, s0  }
0xcd: {  	s0 =	sadd.s32 $0x8F2B, s0  }
0xce: {  	[sflag:s0] =	ssyncadd.remote.s32 $0x1  }
0xcf: {  	_ =	sfence.sel $0xFFFF  }
0xd0: {  	[dreg:$0x0] =	wrdreg $0xFFFFFFFF;
	(pc) =	sbr.abs _section_cstart, $3  }
0xd1: {  	[dreg:$0x1] =	wrdreg $0xFFFFFFFF  }
0xd2: {  	_ =	task.clear_ibuf [dreg:s22], $0x2FFFF;
	_ =	strace $0x9FFFFFFF  }
0xd3: {  	(tm) =	ssettm $0x7FFFFFFF  }
tec
execute0_lowered:
.L_overlay_start_1:
0x0: {  	(tag) =	ssettag $0x1  }
0x1: {  	s2 =	srdreg.scid;
	s0 =	stileid.u32  }
0x2: {  	s1 =	rddreg [dreg:$0x0];
	s21 =	sand.u32 $0x1, s2;
	s30 =	sshll.u32 s0, $0x1  }
0x3: {  	s3 =	rddreg [dreg:$0x1];
	s16 =	sor.u32 s21, s30  }
0x4: {  	s18 =	rddreg [dreg:$0x2];
	s4 =	simm.s32 $0x0;
	s5 =	sshll.u32 s16, $0x5  }
0x5: {  	s6 =	simm.s32 $0x3;
	[smem:$0x7FF] =	sst s4;
	s7 =	sadd.s32 s5, s18  }
0x6: {  	s2 =	rddreg [dreg:$0x3];
	_ =	strace $0x8000004A;
	s5 =	sadd.s32 $0x43600, s7  }
0x7: {  	[tilespmem:s4], [sflag:$0x3] =	stream.linear.gather [hbm4b:s5+s4], $0x100, $0x38;
	[tilespmem:$0x10200] =	vst v63  }
0x8: {  	_ =	swait.ge [sflag:s6], $0x100  }
0x9: {  	[sflag:s6] =	ssyncset.done $0x0  }
0xa: {  	s8 =	simm.s32 $0x100;
	s7 =	sadd.s32 $0x43A00, s7;
	[sflag:s6] =	ssyncadd.s32 $0xFFFFFF00  }
0xb: {  	[tilespmem:s8], [sflag:$0x3] =	stream.linear.gather [hbm4b:s7+s4], $0x100, $0x38;
	[tilespmem:$0x10200] =	vst v63  }
0xc: {  	_ =	swait.ge [sflag:s6], $0x100  }
0xd: {  	[sflag:s6] =	ssyncset.done $0x0  }
0xe: {  	s9 =	simm.s32 $0x80;
	s10 =	simm.s32 $0x200;
	[sflag:s6] =	ssyncadd.s32 $0xFFFFFF00  }
0xf: {  	[tilespmem:s10], [sflag:$0x1] =	stream.indirect.gather [hbm4b:s1+s9], $0x80, s4, s9, $0xb8;
	[tilespmem:$0x10200] =	vst v63  }
0x10: {  	s11 =	simm.s32 $0x4200  }
0x11: {  	[tilespmem:s11], [sflag:$0x1] =	stream.indirect.gather [hbm4b:s1+s9], $0x80, s9, s9, $0xb8;
	[tilespmem:$0x10200] =	vst v63  }
0x12: {  	s12 =	simm.s32 $0x8200  }
0x13: {  	[tilespmem:s12], [sflag:$0x1] =	stream.indirect.gather [hbm4b:s3+s9], $0x80, s8, s9, $0xb8;
	[tilespmem:$0x10200] =	vst v63  }
0x14: {  	s13 =	simm.s32 $0x180;
	s14 =	simm.s32 $0xC200;
	s15 =	simm.s32 $0x1  }
0x15: {  	[tilespmem:s14], [sflag:$0x1] =	stream.indirect.gather [hbm4b:s3+s9], $0x80, s13, s9, $0xb8;
	[tilespmem:$0x10200] =	vst v63  }
0x16: {  	_ =	swait.ge [sflag:s15], $0x4000  }
0x17: {  	s17 =	sadd.s32 $0x43E00, s18;
	s19 =	sshll.u32 s16, $0xC;
	[sflag:s15] =	ssyncset.done $0x0  }
0x18: {  	s16 =	sadd.s32 s17, s19;
	[sflag:s15] =	ssyncadd.s32 $0xFFFFC000  }
0x19: {  	[hbm4b:s16+s4] =	stream.linear.scatter [tilespmem:s10], [sflag:$0x2], $0x4000, $0x38;
	[tilespmem:$0x10200] =	vst v63  }
0x1a: {  	_ =	swait.ge [sflag:s15], $0x4000  }
0x1b: {  	s20 =	sor.u32 $0x800, s19;
	[sflag:s15] =	ssyncset.done $0x0  }
0x1c: {  	s17 =	sadd.s32 s17, s20;
	[sflag:s15] =	ssyncadd.s32 $0xFFFFC000  }
0x1d: {  	[hbm4b:s17+s4] =	stream.linear.scatter [tilespmem:s11], [sflag:$0x2], $0x4000, $0x38;
	[tilespmem:$0x10200] =	vst v63  }
0x1e: {  	_ =	swait.ge [sflag:s15], $0x4000  }
0x1f: {  	s22 =	sadd.s32 $0x63E00, s18;
	[sflag:s15] =	ssyncset.done $0x0  }
0x20: {  	s18 =	sadd.s32 s22, s19;
	[sflag:s15] =	ssyncadd.s32 $0xFFFFC000  }
0x21: {  	[hbm4b:s18+s4] =	stream.linear.scatter [tilespmem:s12], [sflag:$0x2], $0x4000, $0x38;
	[tilespmem:$0x10200] =	vst v63  }
0x22: {  	_ =	swait.ge [sflag:s15], $0x4000  }
0x23: {  	[sflag:s15] =	ssyncset.done $0x0  }
0x24: {  	s19 =	simm.s32 $0x2;
	s20 =	sadd.s32 s22, s20;
	[sflag:s15] =	ssyncadd.s32 $0xFFFFC000  }
0x25: {  	[hbm4b:s20+s4] =	stream.linear.scatter [tilespmem:s14], [sflag:$0x2], $0x4000, $0x38;
	[tilespmem:$0x10200] =	vst v63  }
0x26: {  	_ =	swait.ge [sflag:s19], $0x4000  }
0x27: {  	s21 =	ssub.s32 $0x2, s21;
	[sflag:s19] =	ssyncset.done $0x0  }
0x28: {  	s31 =	sshrl.u32 s21, $0x1;
	[sflag:s19] =	ssyncadd.s32 $0xFFFFC000  }
0x29: {  	s21 =	ssub.s32 s21, s31;
	_ =	swait.ge [sflag:s19], $0x4000  }
0x2a: {  	s21 =	smax.u32 s21, $0x1;
	[sflag:s19] =	ssyncset.done $0x0  }
0x2b: {  	p0 =	sne.s32 s21, $0x1;
	[sflag:s19] =	ssyncadd.s32 $0xFFFFC000  }
.Ltmp0:
0x2c: {  	_ =	swait.ge [sflag:s19], $0x4000;
	(pc) =	sbr.rel @!p0 .LBB2_2-.Ltmp0, $4  }
0x2d: {  	[sflag:s19] =	ssyncset.done $0x0  }
0x2e: {  	[sflag:s19] =	ssyncadd.s32 $0xFFFFC000  }
0x2f: {  	_ =	swait.ge [sflag:s19], $0x4000  }
0x30: {  	s21 =	sadd.s32 $0xFFFFFFFF, s21;
	[sflag:s19] =	ssyncset.done $0x0  }
.LBB2_1:
0x31: {  	p0 =	sne.s32 s21, $0x1;
	s21 =	sadd.s32 $0xFFFFFFFF, s21;
	[sflag:s19] =	ssyncadd.s32 $0xFFFFC000  }
0x32: {  	[tilespmem:s4], [sflag:$0x3] =	stream.linear.gather [hbm4b:s5+s4], $0x100, $0x38;
	[tilespmem:$0x10200] =	vst v63  }
0x33: {  	_ =	swait.ge [sflag:s6], $0x100  }
0x34: {  	[sflag:s6] =	ssyncset.done $0x0  }
0x35: {  	[sflag:s6] =	ssyncadd.s32 $0xFFFFFF00  }
0x36: {  	[tilespmem:s8], [sflag:$0x3] =	stream.linear.gather [hbm4b:s7+s4], $0x100, $0x38;
	[tilespmem:$0x10200] =	vst v63  }
0x37: {  	_ =	swait.ge [sflag:s6], $0x100  }
0x38: {  	[sflag:s6] =	ssyncset.done $0x0  }
0x39: {  	[sflag:s6] =	ssyncadd.s32 $0xFFFFFF00  }
0x3a: {  	[tilespmem:s10], [sflag:$0x1] =	stream.indirect.gather [hbm4b:s1+s9], $0x80, s4, s9, $0xb8;
	[tilespmem:$0x10200] =	vst v63  }
0x3b: {  	_ = 	snop  }
0x3c: {  	[tilespmem:s11], [sflag:$0x1] =	stream.indirect.gather [hbm4b:s1+s9], $0x80, s9, s9, $0xb8;
	[tilespmem:$0x10200] =	vst v63  }
0x3d: {  	_ = 	snop  }
0x3e: {  	[tilespmem:s12], [sflag:$0x1] =	stream.indirect.gather [hbm4b:s3+s9], $0x80, s8, s9, $0xb8;
	[tilespmem:$0x10200] =	vst v63  }
0x3f: {  	_ = 	snop  }
0x40: {  	[tilespmem:s14], [sflag:$0x1] =	stream.indirect.gather [hbm4b:s3+s9], $0x80, s13, s9, $0xb8;
	[tilespmem:$0x10200] =	vst v63  }
0x41: {  	_ =	swait.ge [sflag:s15], $0x4000  }
0x42: {  	[sflag:s15] =	ssyncset.done $0x0  }
0x43: {  	[sflag:s15] =	ssyncadd.s32 $0xFFFFC000  }
0x44: {  	[hbm4b:s16+s4] =	stream.linear.scatter [tilespmem:s10], [sflag:$0x2], $0x4000, $0x38;
	[tilespmem:$0x10200] =	vst v63  }
0x45: {  	_ =	swait.ge [sflag:s15], $0x4000  }
0x46: {  	[sflag:s15] =	ssyncset.done $0x0  }
0x47: {  	[sflag:s15] =	ssyncadd.s32 $0xFFFFC000  }
0x48: {  	[hbm4b:s17+s4] =	stream.linear.scatter [tilespmem:s11], [sflag:$0x2], $0x4000, $0x38;
	[tilespmem:$0x10200] =	vst v63  }
0x49: {  	_ =	swait.ge [sflag:s15], $0x4000  }
0x4a: {  	[sflag:s15] =	ssyncset.done $0x0  }
0x4b: {  	[sflag:s15] =	ssyncadd.s32 $0xFFFFC000  }
0x4c: {  	[hbm4b:s18+s4] =	stream.linear.scatter [tilespmem:s12], [sflag:$0x2], $0x4000, $0x38;
	[tilespmem:$0x10200] =	vst v63  }
0x4d: {  	_ =	swait.ge [sflag:s15], $0x4000  }
0x4e: {  	[sflag:s15] =	ssyncset.done $0x0  }
0x4f: {  	[sflag:s15] =	ssyncadd.s32 $0xFFFFC000  }
0x50: {  	[hbm4b:s20+s4] =	stream.linear.scatter [tilespmem:s14], [sflag:$0x2], $0x4000, $0x38;
	[tilespmem:$0x10200] =	vst v63  }
0x51: {  	_ =	swait.ge [sflag:s19], $0x4000  }
0x52: {  	[sflag:s19] =	ssyncset.done $0x0  }
0x53: {  	[sflag:s19] =	ssyncadd.s32 $0xFFFFC000  }
0x54: {  	_ =	swait.ge [sflag:s19], $0x4000  }
0x55: {  	[sflag:s19] =	ssyncset.done $0x0  }
0x56: {  	[sflag:s19] =	ssyncadd.s32 $0xFFFFC000  }
.Ltmp1:
0x57: {  	_ =	swait.ge [sflag:s19], $0x4000;
	(pc) =	sbr.rel @p0 .LBB2_1-.Ltmp1, $4  }
0x58: {  	[sflag:s19] =	ssyncset.done $0x0  }
0x59: {  	[sflag:s19] =	ssyncadd.s32 $0xFFFFC000  }
0x5a: {  	_ =	swait.ge [sflag:s19], $0x4000  }
0x5b: {  	[sflag:s19] =	ssyncset.done $0x0  }
.LBB2_2:
0x5c: {  	[sflag:s19] =	ssyncadd.s32 $0xFFFFC000  }
0x5d: {  	_ =	sfence.sel $0x180000  }
0x5e: {  	[bflag:$0x0] =	sbarrier.arrive $0xFFFF  }
0x5f: {  	p0 =	sne.s32 s0, $0x0;
	_ =	strace $0x9000004A  }
0x60: {  	s0 =	sadd.s32 @!p0 $0x100000, s2;
	[bflag:$0x2] =	sbarrier.arrive $0xFFFF  }
0x61: {  	[sflag:s0] =	ssyncadd.tile.s32 @!p0 $0x1;
	_ =	shalt  }
.Lfunc_end2:
_tile_overlayer_lowered:
.L_overlay_start_2:
0x62: {  	(tag) =	ssettag $0x2  }
0x63: {  	s0 =	rddreg [dreg:$0x0];
	s2 =	stileid.u32  }
0x64: {  	s1 =	rddreg [dreg:$0x1];
	p0 =	sne.s32 s2, $0x0  }
0x65: {  	s3 =	rddreg [dreg:$0x2];
	[bflag:$0x3] =	sbarrier.arrive $0xFFFF;
	s2 =	simm.s32 @!p0 $0x1C03  }
0x66: {  	[timem:s3], [sflag:s2] =	dma.local @!p0 [hbm:s0], s1  }
0x67: {  	s0 =	simm.s32 @!p0 $0x3  }
0x68: {  	_ =	swait.ge @!p0 [sflag:s0], s1  }
0x69: {  	s1 =	ssub.s32 @!p0 $0x0, s1;
	[sflag:s0] =	ssyncset.done @!p0 $0x0  }
0x6a: {  	[sflag:s0] =	ssyncadd.s32 @!p0 s1  }
0x6b: {  	[bflag:$0x3] =	sbarrier.arrive $0xFFFF  }
0x6c: {  	_ =	shalt  }

</sc_bundles>
